<compile_context>
chip_gen: v7x
topology: tpu7x:2x2x1
jax: 0.10.2.dev20260603
libtpu: 0.0.44.dev20260713+nightly
codegen_flags: <defaults>
</compile_context>

<pallas_src>
import functools

import jax
import jax.numpy as jnp
from jax import lax
from jax.experimental import pallas as pl
from jax.experimental.pallas import tpu as pltpu
from jax.experimental.pallas import tpu_sc as plsc

N = 10000
E = 320000
D_IN = 128
D_ENC = 128
RB = 2048
NB = 5
NP = 10240
NT = 16
NPT = NP // NT
L = 16

EC_BIG = 157 * 128
EC_SMALL = 156 * 128


def _tc_body(x_ref, w_ref, b_ref, wp_ref, o_ref):
    i = pl.program_id(0)
    h = jax.lax.dot_general(
        x_ref[...], w_ref[...], (((1,), (0,)), ((), ())),
        preferred_element_type=jnp.float32,
        precision=jax.lax.Precision.HIGHEST)
    h = jnp.maximum(h + b_ref[...], 0.0)
    v = jnp.sum(h * wp_ref[...], axis=1)
    row = i * RB + jax.lax.broadcasted_iota(jnp.int32, (1, RB, 1), 1)
    o_ref[...] = jnp.where(row < N, v.reshape(1, RB, 1), 0.0)


def _tc_v0(x, W_in, b2, wp2):
    return pl.pallas_call(
        _tc_body,
        grid=(NB,),
        in_specs=[
            pl.BlockSpec((RB, D_IN), lambda i: (i, 0)),
            pl.BlockSpec((D_IN, D_ENC), lambda i: (0, 0)),
            pl.BlockSpec((1, D_ENC), lambda i: (0, 0)),
            pl.BlockSpec((1, D_ENC), lambda i: (0, 0)),
        ],
        out_specs=pl.BlockSpec((1, RB, 1), lambda i: (i, 0, 0)),
        out_shape=jax.ShapeDtypeStruct((NB, RB, 1), jnp.float32),
    )(x, W_in, b2, wp2)


def _sc_body(v0_hbm, ei_hbm, bp_hbm,
             out_hbm, part_hbm, vcur_hbm,
             ed_loc, v_loc, acc_loc, cnt_loc, inv_loc, vnew_loc,
             red_loc, red2_loc, sum_loc, b_loc, out_loc, sem1, sem2):
    c = lax.axis_index("c")
    s = lax.axis_index("s")

    @pl.when(c == 0)
    def _main():
        wid = s
        nbase = wid * NPT

        eoff = jnp.where(wid < 4, wid * EC_BIG,
                         4 * EC_BIG + (wid - 4) * EC_SMALL)
        eload = pl.multiple_of(jnp.minimum(eoff, E - EC_BIG), 128)
        estart = eoff - eload
        ecnt = jnp.where(wid < 4, EC_BIG, EC_SMALL)

        a_ed = pltpu.async_copy(ei_hbm.at[:, pl.ds(eload, EC_BIG)], ed_loc, sem1)
        a_v0 = pltpu.async_copy(v0_hbm, v_loc, sem2)
        pltpu.sync_copy(bp_hbm, b_loc)

        zeros16 = jnp.zeros((L,), jnp.float32)
        ones16 = jnp.ones((L,), jnp.float32)

        def zero_acc(with_cnt):
            @plsc.parallel_loop(0, NP, L, unroll=8)
            def _zb(i):
                acc_loc[pl.ds(i, L)] = zeros16
                if with_cnt:
                    cnt_loc[pl.ds(i, L)] = zeros16

        def edge_pass(with_cnt):
            @plsc.parallel_loop(estart, estart + ecnt, L, unroll=8)
            def _eb(i):
                d16 = ed_loc[1, pl.ds(i, L)]
                s16 = ed_loc[0, pl.ds(i, L)]
                vals = plsc.load_gather(v_loc, [s16])
                plsc.addupdate_scatter(acc_loc, [d16], vals)
                if with_cnt:
                    plsc.addupdate_scatter(cnt_loc, [d16], ones16)

        def combine(with_cnt):
            w1 = pltpu.async_copy(acc_loc, part_hbm.at[wid], sem1)
            if with_cnt:
                pltpu.async_copy(cnt_loc, part_hbm.at[NT + wid], sem2).wait()
            w1.wait()
            plsc.subcore_barrier()
            r1 = pltpu.async_copy(
                part_hbm.at[pl.ds(0, NT), pl.ds(nbase, NPT)], red_loc, sem1)
            if with_cnt:
                pltpu.async_copy(
                    part_hbm.at[pl.ds(NT, NT), pl.ds(nbase, NPT)], red2_loc,
                    sem2).wait()
            r1.wait()

        def reduced(ref, jb):
            tot = ref[0, pl.ds(jb, L)]
            for k in range(1, NT):
                tot = tot + ref[k, pl.ds(jb, L)]
            return tot

        zero_acc(True)
        a_ed.wait()
        a_v0.wait()
        edge_pass(True)
        combine(True)

        @plsc.parallel_loop(0, NPT, L, unroll=4)
        def _upd1(jb):
            inv = 1.0 / jnp.maximum(reduced(red2_loc, jb), 1.0)
            inv_loc[pl.ds(jb, L)] = inv
            m = reduced(red_loc, jb) * inv
            vold = v_loc[pl.ds(pl.multiple_of(nbase + jb, L), L)]
            vnew_loc[pl.ds(jb, L)] = (vold + m) * 0.5

        pltpu.sync_copy(vnew_loc, vcur_hbm.at[pl.ds(nbase, NPT)])
        plsc.subcore_barrier()
        pltpu.sync_copy(vcur_hbm, v_loc)
        plsc.subcore_barrier()

        zero_acc(False)
        edge_pass(False)
        combine(False)

        @plsc.parallel_loop(0, NPT, L, unroll=4)
        def _upd2(jb):
            m = reduced(red_loc, jb) * inv_loc[pl.ds(jb, L)]
            vold = v_loc[pl.ds(pl.multiple_of(nbase + jb, L), L)]
            vnew_loc[pl.ds(jb, L)] = (vold + m) * 0.5

        @plsc.parallel_loop(0, NPT, L, unroll=4, carry=zeros16)
        def acc16(jb, a):
            return a + vnew_loc[pl.ds(jb, L)]

        plsc.subcore_barrier()
        out_loc[...] = acc16
        pltpu.sync_copy(out_loc, part_hbm.at[0, pl.ds(pl.multiple_of(wid * L, L), L)])
        plsc.subcore_barrier()

        @pl.when(s == 0)
        def _fin():
            pltpu.sync_copy(part_hbm.at[0, pl.ds(0, NT * L)], sum_loc)
            t = sum_loc[pl.ds(0, L)]
            for k in range(1, NT):
                t = t + sum_loc[pl.ds(k * L, L)]
            o = jnp.sum(t) * (1.0 / float(N))
            lane = lax.iota(jnp.int32, L)
            out_loc[...] = jnp.where(lane == 0, o, 0.0) + b_loc[...]
            pltpu.sync_copy(out_loc, out_hbm)


_sc_call = functools.partial(
    pl.kernel,
    mesh=plsc.VectorSubcoreMesh(core_axis_name="c", subcore_axis_name="s"),
    compiler_params=pltpu.CompilerParams(needs_layout_passes=False),
    out_type=(
        jax.ShapeDtypeStruct((L,), jnp.float32),
        jax.ShapeDtypeStruct((2 * NT, NP), jnp.float32),
        jax.ShapeDtypeStruct((NP,), jnp.float32),
    ),
    scratch_types=[
        pltpu.VMEM((2, EC_BIG), jnp.int32),
        pltpu.VMEM((NP,), jnp.float32),
        pltpu.VMEM((NP,), jnp.float32),
        pltpu.VMEM((NP,), jnp.float32),
        pltpu.VMEM((NPT,), jnp.float32),
        pltpu.VMEM((NPT,), jnp.float32),
        pltpu.VMEM((NT, NPT), jnp.float32),
        pltpu.VMEM((NT, NPT), jnp.float32),
        pltpu.VMEM((NT * L,), jnp.float32),
        pltpu.VMEM((L,), jnp.float32),
        pltpu.VMEM((L,), jnp.float32),
        pltpu.SemaphoreType.DMA,
        pltpu.SemaphoreType.DMA,
    ],
)(_sc_body)


def kernel(x, edge_index, W_in, b_in, W_pred, b_pred):
    b2 = b_in.reshape(1, D_ENC)
    wp2 = W_pred[:D_ENC, 0].reshape(1, D_ENC)
    v0 = _tc_v0(x, W_in, b2, wp2).reshape(NP)
    bp = jnp.pad(b_pred, (0, L - 1))
    out16, _, _ = _sc_call(v0, edge_index, bp)
    return out16[:1]

# --- scband reference (transcript-rebuilt; emitter-appended) ---
"""Pipeline reference for scband-model-31679678775949 (READ-ONLY COPY).

The authoritative reference and input builder live on the scoring server;
editing this copy changes nothing except your own understanding.
"""

import jax, jax.numpy as jnp
import numpy as np

N = 10000
E = 320000
D_IN = 128      # node_feature_length
D_ENC = 128     # input_encoding
D_HID = 256     # hidden_encoding
STEPS = 2       # mpnn_steps


def setup_inputs(seed: int = 0) -> dict:
    key = jax.random.key(seed)
    k1, k2, k3, k4 = jax.random.split(key, 4)
    x = jax.random.normal(k1, (N, D_IN), dtype=jnp.float32)
    # edge_index values in [0, N); int32 indexing is equivalent for jax
    edge_index = jax.random.randint(k2, (2, E), 0, N, dtype=jnp.int32)
    # Learned parameters
    W_in = jax.random.normal(k3, (D_IN, D_ENC), dtype=jnp.float32) * 0.05
    b_in = jnp.zeros((D_ENC,), dtype=jnp.float32)
    W_pred = jax.random.normal(k4, (D_HID, 1), dtype=jnp.float32) * 0.05
    b_pred = jnp.zeros((1,), dtype=jnp.float32)
    return {"x": x, "edge_index": edge_index, "W_in": W_in, "b_in": b_in,
            "W_pred": W_pred, "b_pred": b_pred}


def reference(x, edge_index, W_in, b_in, W_pred, b_pred):
    # input_layer + ReLU
    h = jnp.maximum(x @ W_in + b_in, 0.0)
    # ZeroPad2d((0, hidden - input, 0, 0)): pad feature dim on the right
    h = jnp.pad(h, ((0, 0), (0, D_HID - D_ENC)))
    src = edge_index[0]  # j (source)
    dst = edge_index[1]  # i (target)
    for _ in range(STEPS):
        # message: h_j gathered from source nodes
        msg = jnp.take(h, src, axis=0)
        # aggregate: scatter-mean into target nodes (PyG aggr='mean')
        s = jax.ops.segment_sum(msg, dst, num_segments=N)
        cnt = jax.ops.segment_sum(jnp.ones((E,), dtype=h.dtype), dst, num_segments=N)
        m = s / jnp.clip(cnt, 1.0)[:, None]
        # update_mean: (h + m) / 2
        h = (h + m) / 2.0
    # graph readout: per-feature mean over nodes (matches the torch list-comp)
    pooled = jnp.mean(h, axis=0)
    # prediction layer
    return pooled @ W_pred + b_pred

if __name__ == "__main__":
    import jax
    _d = setup_inputs()
    print(jax.jit(kernel)(*tuple(_d.values())))

</pallas_src>

<mosaic_0001>
#map = affine_map<(d0, d1) -> (0)>
#map1 = affine_map<(d0, d1) -> (0, 0)>
module attributes {stable_mosaic.version = 14 : i64} {
  func.func @_sc_body(%arg0: i32, %arg1: i32, %arg2: memref<10240xf32, #tpu.memory_space<hbm>>, %arg3: memref<2x320000xi32, #tpu.memory_space<hbm>>, %arg4: memref<16xf32, #tpu.memory_space<hbm>>, %arg5: memref<16xf32, #tpu.memory_space<hbm>>, %arg6: memref<32x10240xf32, #tpu.memory_space<hbm>>, %arg7: memref<10240xf32, #tpu.memory_space<hbm>>, %arg8: memref<2x20096xi32, #tpu.memory_space<vmem>>, %arg9: memref<10240xf32, #tpu.memory_space<vmem>>, %arg10: memref<10240xf32, #tpu.memory_space<vmem>>, %arg11: memref<10240xf32, #tpu.memory_space<vmem>>, %arg12: memref<640xf32, #tpu.memory_space<vmem>>, %arg13: memref<640xf32, #tpu.memory_space<vmem>>, %arg14: memref<16x640xf32, #tpu.memory_space<vmem>>, %arg15: memref<16x640xf32, #tpu.memory_space<vmem>>, %arg16: memref<256xf32, #tpu.memory_space<vmem>>, %arg17: memref<16xf32, #tpu.memory_space<vmem>>, %arg18: memref<16xf32, #tpu.memory_space<vmem>>, %arg19: memref<!tpu.dma_semaphore, #tpu.memory_space<semaphore_mem>>, %arg20: memref<!tpu.dma_semaphore, #tpu.memory_space<semaphore_mem>>) attributes {dimension_semantics = [#tpu.dimension_semantics<core_parallel>, #tpu.dimension_semantics<subcore_parallel>], iteration_bounds = array<i64: 2, 16>, scalar_prefetch = 0 : i64, scratch_operands = 13 : i64, tpu.core_type = #tpu.core_type<sc_vector_subcore>, window_params = [{transform_indices = #map}, {transform_indices = #map1}, {transform_indices = #map}, {transform_indices = #map}, {transform_indices = #map1}, {transform_indices = #map}]} {
    %eq3A = arith.constant 0 : i32
    %eq3A_0 = arith.cmpi eq, %arg0, %eq3A : i32
    %convert_element_type3A = arith.extui %eq3A_0 : i1 to i32
    %cond3A = arith.constant 0 : i32
    %cond3A_1 = arith.cmpi ne, %convert_element_type3A, %cond3A : i32
    scf.if %cond3A_1 {
      %mul3A = arith.constant 640 : i32
      %mul3A_2 = arith.muli %arg1, %mul3A : i32
      %lt3A = arith.constant 4 : i32
      %lt3A_3 = arith.cmpi slt, %arg1, %lt3A : i32
      %mul3A_4 = arith.constant 20096 : i32
      %mul3A_5 = arith.muli %arg1, %mul3A_4 : i32
      %sub3A = arith.constant 4 : i32
      %sub3A_6 = arith.subi %arg1, %sub3A : i32
      %mul3A_7 = arith.constant 19968 : i32
      %mul3A_8 = arith.muli %sub3A_6, %mul3A_7 : i32
      %add3A = arith.constant 80384 : i32
      %add3A_9 = arith.addi %add3A, %mul3A_8 : i32
      %select_n3A = arith.select %lt3A_3, %mul3A_5, %add3A_9 : i32
      %min3A = arith.constant 299904 : i32
      %min3A_10 = arith.minsi %select_n3A, %min3A : i32
      %multiple_of3A = tpu.assume_multiple %min3A_10, 128 : i32
      %sub3A_11 = arith.subi %select_n3A, %multiple_of3A : i32
      %lt3A_12 = arith.constant 4 : i32
      %lt3A_13 = arith.cmpi slt, %arg1, %lt3A_12 : i32
      %jit3A = arith.constant 20096 : i32
      %jit3A_14 = arith.constant 19968 : i32
      %select_n3A_15 = arith.select %lt3A_13, %jit3A, %jit3A_14 : i32
      %dma_start3A = arith.constant 0 : i32
      %dma_start3A_16 = tpu.memref_slice %arg3[%dma_start3A, %multiple_of3A] : memref<2x320000xi32, #tpu.memory_space<hbm>> -> memref<2x20096xi32, #tpu.memory_space<hbm>>
      %dma_start3A_17 = arith.constant 0 : i32
      %dma_start3A_18 = tpu.memref_slice %arg3[%dma_start3A_17, %multiple_of3A] : memref<2x320000xi32, #tpu.memory_space<hbm>> -> memref<2x20096xi32, #tpu.memory_space<hbm>>
      tpu.enqueue_dma source(%dma_start3A_18 : memref<2x20096xi32, #tpu.memory_space<hbm>>) target(%arg8 : memref<2x20096xi32, #tpu.memory_space<vmem>>) target_semaphore(%arg19 : memref<!tpu.dma_semaphore, #tpu.memory_space<semaphore_mem>>)
      tpu.enqueue_dma source(%arg2 : memref<10240xf32, #tpu.memory_space<hbm>>) target(%arg9 : memref<10240xf32, #tpu.memory_space<vmem>>) target_semaphore(%arg20 : memref<!tpu.dma_semaphore, #tpu.memory_space<semaphore_mem>>)
      "tpu.region"() ({
        %run_scoped3A_120 = tpu.sem_alloc : memref<!tpu.dma_semaphore, #tpu.memory_space<semaphore_mem>>
        tpu.enqueue_dma source(%arg4 : memref<16xf32, #tpu.memory_space<hbm>>) target(%arg17 : memref<16xf32, #tpu.memory_space<vmem>>) target_semaphore(%run_scoped3A_120 : memref<!tpu.dma_semaphore, #tpu.memory_space<semaphore_mem>>)
        tpu.wait_dma2 semaphore(%run_scoped3A_120 : memref<!tpu.dma_semaphore, #tpu.memory_space<semaphore_mem>>) src(%arg4 : memref<16xf32, #tpu.memory_space<hbm>>) dst(%arg17 : memref<16xf32, #tpu.memory_space<vmem>>)
        tpu.yield
      }) : () -> ()
      %broadcast_in_dim3A = arith.constant 0.000000e+00 : f32
      %broadcast_in_dim3A_19 = vector.broadcast %broadcast_in_dim3A : f32 to vector<16xf32>
      %broadcast_in_dim3A_20 = arith.constant 1.000000e+00 : f32
      %broadcast_in_dim3A_21 = vector.broadcast %broadcast_in_dim3A_20 : f32 to vector<16xf32>
      %parallel_loop3A = arith.constant 0 : i32
      %parallel_loop3A_22 = arith.constant 10240 : i32
      %parallel_loop3A_23 = arith.constant 16 : i32
      scf.for %parallel_loop3A_120 = %parallel_loop3A to %parallel_loop3A_22 step %parallel_loop3A_23  : i32 {
        %parallel_loop3A_121 = arith.index_cast %parallel_loop3A_120 : i32 to index
        %parallel_loop3A_122 = tpu.vector_load %arg10[%parallel_loop3A_121] {strides = array<i32>} : memref<10240xf32, #tpu.memory_space<vmem>>, vector<16xf32>,
        tpu.vector_store %arg10[%parallel_loop3A_121], %broadcast_in_dim3A_19 {strides = array<i32>} : memref<10240xf32, #tpu.memory_space<vmem>>, vector<16xf32>,
        %parallel_loop3A_123 = arith.index_cast %parallel_loop3A_120 : i32 to index
        %parallel_loop3A_124 = tpu.vector_load %arg11[%parallel_loop3A_123] {strides = array<i32>} : memref<10240xf32, #tpu.memory_space<vmem>>, vector<16xf32>,
        tpu.vector_store %arg11[%parallel_loop3A_123], %broadcast_in_dim3A_19 {strides = array<i32>} : memref<10240xf32, #tpu.memory_space<vmem>>, vector<16xf32>,
      } {sc.loop_unroll_factor = 8 : i64, sc.parallel_access}
      %dma_wait3A = arith.constant 0 : i32
      %dma_wait3A_24 = tpu.memref_slice %arg3[%dma_wait3A, %multiple_of3A] : memref<2x320000xi32, #tpu.memory_space<hbm>> -> memref<2x20096xi32, #tpu.memory_space<hbm>>
      %dma_wait3A_25 = arith.constant 0 : i32
      %dma_wait3A_26 = tpu.memref_slice %arg3[%dma_wait3A_25, %multiple_of3A] : memref<2x320000xi32, #tpu.memory_space<hbm>> -> memref<2x20096xi32, #tpu.memory_space<hbm>>
      tpu.wait_dma2 semaphore(%arg19 : memref<!tpu.dma_semaphore, #tpu.memory_space<semaphore_mem>>) src(%dma_wait3A_26 : memref<2x20096xi32, #tpu.memory_space<hbm>>) dst(%arg8 : memref<2x20096xi32, #tpu.memory_space<vmem>>)
      tpu.wait_dma2 semaphore(%arg20 : memref<!tpu.dma_semaphore, #tpu.memory_space<semaphore_mem>>) src(%arg2 : memref<10240xf32, #tpu.memory_space<hbm>>) dst(%arg9 : memref<10240xf32, #tpu.memory_space<vmem>>)
      %add3A_27 = arith.addi %sub3A_11, %select_n3A_15 : i32
      %parallel_loop3A_28 = arith.constant 16 : i32
      scf.for %parallel_loop3A_120 = %sub3A_11 to %add3A_27 step %parallel_loop3A_28  : i32 {
        %parallel_loop3A_121 = arith.constant 1 : i32
        %parallel_loop3A_122 = arith.index_cast %parallel_loop3A_121 : i32 to index
        %parallel_loop3A_123 = arith.index_cast %parallel_loop3A_120 : i32 to index
        %parallel_loop3A_124 = tpu.vector_load %arg8[%parallel_loop3A_122, %parallel_loop3A_123] {strides = array<i32>} : memref<2x20096xi32, #tpu.memory_space<vmem>>, vector<16xi32>,
        %parallel_loop3A_125 = arith.constant 0 : i32
        %parallel_loop3A_126 = arith.index_cast %parallel_loop3A_125 : i32 to index
        %parallel_loop3A_127 = arith.index_cast %parallel_loop3A_120 : i32 to index
        %parallel_loop3A_128 = tpu.vector_load %arg8[%parallel_loop3A_126, %parallel_loop3A_127] {strides = array<i32>} : memref<2x20096xi32, #tpu.memory_space<vmem>>, vector<16xi32>,
        %parallel_loop3A_129 = tpu.vector_load_idx %arg9[%parallel_loop3A_128] : memref<10240xf32, #tpu.memory_space<vmem>>[vector<16xi32>], vector<16xf32>,
        tpu.vector_store_idx %arg10[%parallel_loop3A_124], %parallel_loop3A_129 {add = true} : memref<10240xf32, #tpu.memory_space<vmem>>[vector<16xi32>], vector<16xf32>,
        tpu.vector_store_idx %arg11[%parallel_loop3A_124], %broadcast_in_dim3A_21 {add = true} : memref<10240xf32, #tpu.memory_space<vmem>>[vector<16xi32>], vector<16xf32>,
      } {sc.loop_unroll_factor = 8 : i64, sc.parallel_access}
      %dma_start3A_29 = arith.constant 0 : i32
      %dma_start3A_30 = tpu.memref_slice %arg6[%arg1, %dma_start3A_29] : memref<32x10240xf32, #tpu.memory_space<hbm>> -> memref<1x10240xf32, #tpu.memory_space<hbm>>
      %dma_start3A_31 = tpu.memref_squeeze %dma_start3A_30 : memref<1x10240xf32, #tpu.memory_space<hbm>> -> memref<10240xf32, #tpu.memory_space<hbm>>
      %dma_start3A_32 = arith.constant 0 : i32
      %dma_start3A_33 = tpu.memref_slice %arg6[%arg1, %dma_start3A_32] : memref<32x10240xf32, #tpu.memory_space<hbm>> -> memref<1x10240xf32, #tpu.memory_space<hbm>>
      %dma_start3A_34 = tpu.memref_squeeze %dma_start3A_33 : memref<1x10240xf32, #tpu.memory_space<hbm>> -> memref<10240xf32, #tpu.memory_space<hbm>>
      tpu.enqueue_dma source(%arg10 : memref<10240xf32, #tpu.memory_space<vmem>>) target(%dma_start3A_34 : memref<10240xf32, #tpu.memory_space<hbm>>) target_semaphore(%arg19 : memref<!tpu.dma_semaphore, #tpu.memory_space<semaphore_mem>>)
      %add3A_35 = arith.constant 16 : i32
      %add3A_36 = arith.addi %add3A_35, %arg1 : i32
      %dma_start3A_37 = arith.constant 0 : i32
      %dma_start3A_38 = tpu.memref_slice %arg6[%add3A_36, %dma_start3A_37] : memref<32x10240xf32, #tpu.memory_space<hbm>> -> memref<1x10240xf32, #tpu.memory_space<hbm>>
      %dma_start3A_39 = tpu.memref_squeeze %dma_start3A_38 : memref<1x10240xf32, #tpu.memory_space<hbm>> -> memref<10240xf32, #tpu.memory_space<hbm>>
      %dma_start3A_40 = arith.constant 0 : i32
      %dma_start3A_41 = tpu.memref_slice %arg6[%add3A_36, %dma_start3A_40] : memref<32x10240xf32, #tpu.memory_space<hbm>> -> memref<1x10240xf32, #tpu.memory_space<hbm>>
      %dma_start3A_42 = tpu.memref_squeeze %dma_start3A_41 : memref<1x10240xf32, #tpu.memory_space<hbm>> -> memref<10240xf32, #tpu.memory_space<hbm>>
      tpu.enqueue_dma source(%arg11 : memref<10240xf32, #tpu.memory_space<vmem>>) target(%dma_start3A_42 : memref<10240xf32, #tpu.memory_space<hbm>>) target_semaphore(%arg20 : memref<!tpu.dma_semaphore, #tpu.memory_space<semaphore_mem>>)
      %dma_wait3A_43 = arith.constant 0 : i32
      %dma_wait3A_44 = tpu.memref_slice %arg6[%add3A_36, %dma_wait3A_43] : memref<32x10240xf32, #tpu.memory_space<hbm>> -> memref<1x10240xf32, #tpu.memory_space<hbm>>
      %dma_wait3A_45 = tpu.memref_squeeze %dma_wait3A_44 : memref<1x10240xf32, #tpu.memory_space<hbm>> -> memref<10240xf32, #tpu.memory_space<hbm>>
      %dma_wait3A_46 = arith.constant 0 : i32
      %dma_wait3A_47 = tpu.memref_slice %arg6[%add3A_36, %dma_wait3A_46] : memref<32x10240xf32, #tpu.memory_space<hbm>> -> memref<1x10240xf32, #tpu.memory_space<hbm>>
      %dma_wait3A_48 = tpu.memref_squeeze %dma_wait3A_47 : memref<1x10240xf32, #tpu.memory_space<hbm>> -> memref<10240xf32, #tpu.memory_space<hbm>>
      tpu.wait_dma2 semaphore(%arg20 : memref<!tpu.dma_semaphore, #tpu.memory_space<semaphore_mem>>) src(%arg11 : memref<10240xf32, #tpu.memory_space<vmem>>) dst(%dma_wait3A_48 : memref<10240xf32, #tpu.memory_space<hbm>>)
      %dma_wait3A_49 = arith.constant 0 : i32
      %dma_wait3A_50 = tpu.memref_slice %arg6[%arg1, %dma_wait3A_49] : memref<32x10240xf32, #tpu.memory_space<hbm>> -> memref<1x10240xf32, #tpu.memory_space<hbm>>
      %dma_wait3A_51 = tpu.memref_squeeze %dma_wait3A_50 : memref<1x10240xf32, #tpu.memory_space<hbm>> -> memref<10240xf32, #tpu.memory_space<hbm>>
      %dma_wait3A_52 = arith.constant 0 : i32
      %dma_wait3A_53 = tpu.memref_slice %arg6[%arg1, %dma_wait3A_52] : memref<32x10240xf32, #tpu.memory_space<hbm>> -> memref<1x10240xf32, #tpu.memory_space<hbm>>
      %dma_wait3A_54 = tpu.memref_squeeze %dma_wait3A_53 : memref<1x10240xf32, #tpu.memory_space<hbm>> -> memref<10240xf32, #tpu.memory_space<hbm>>
      tpu.wait_dma2 semaphore(%arg19 : memref<!tpu.dma_semaphore, #tpu.memory_space<semaphore_mem>>) src(%arg10 : memref<10240xf32, #tpu.memory_space<vmem>>) dst(%dma_wait3A_54 : memref<10240xf32, #tpu.memory_space<hbm>>)
      %barrier3A = arith.constant 0 : index
      tpu.barrier barrier_id(%barrier3A)
      %dma_start3A_55 = arith.constant 0 : i32
      %dma_start3A_56 = tpu.memref_slice %arg6[%dma_start3A_55, %mul3A_2] : memref<32x10240xf32, #tpu.memory_space<hbm>> -> memref<16x640xf32, #tpu.memory_space<hbm>>
      %dma_start3A_57 = arith.constant 0 : i32
      %dma_start3A_58 = tpu.memref_slice %arg6[%dma_start3A_57, %mul3A_2] : memref<32x10240xf32, #tpu.memory_space<hbm>> -> memref<16x640xf32, #tpu.memory_space<hbm>>
      tpu.enqueue_dma source(%dma_start3A_58 : memref<16x640xf32, #tpu.memory_space<hbm>>) target(%arg14 : memref<16x640xf32, #tpu.memory_space<vmem>>) target_semaphore(%arg19 : memref<!tpu.dma_semaphore, #tpu.memory_space<semaphore_mem>>)
      %dma_start3A_59 = arith.constant 16 : i32
      %dma_start3A_60 = tpu.memref_slice %arg6[%dma_start3A_59, %mul3A_2] : memref<32x10240xf32, #tpu.memory_space<hbm>> -> memref<16x640xf32, #tpu.memory_space<hbm>>
      %dma_start3A_61 = arith.constant 16 : i32
      %dma_start3A_62 = tpu.memref_slice %arg6[%dma_start3A_61, %mul3A_2] : memref<32x10240xf32, #tpu.memory_space<hbm>> -> memref<16x640xf32, #tpu.memory_space<hbm>>
      tpu.enqueue_dma source(%dma_start3A_62 : memref<16x640xf32, #tpu.memory_space<hbm>>) target(%arg15 : memref<16x640xf32, #tpu.memory_space<vmem>>) target_semaphore(%arg20 : memref<!tpu.dma_semaphore, #tpu.memory_space<semaphore_mem>>)
      %dma_wait3A_63 = arith.constant 16 : i32
      %dma_wait3A_64 = tpu.memref_slice %arg6[%dma_wait3A_63, %mul3A_2] : memref<32x10240xf32, #tpu.memory_space<hbm>> -> memref<16x640xf32, #tpu.memory_space<hbm>>
      %dma_wait3A_65 = arith.constant 16 : i32
      %dma_wait3A_66 = tpu.memref_slice %arg6[%dma_wait3A_65, %mul3A_2] : memref<32x10240xf32, #tpu.memory_space<hbm>> -> memref<16x640xf32, #tpu.memory_space<hbm>>
      tpu.wait_dma2 semaphore(%arg20 : memref<!tpu.dma_semaphore, #tpu.memory_space<semaphore_mem>>) src(%dma_wait3A_66 : memref<16x640xf32, #tpu.memory_space<hbm>>) dst(%arg15 : memref<16x640xf32, #tpu.memory_space<vmem>>)
      %dma_wait3A_67 = arith.constant 0 : i32
      %dma_wait3A_68 = tpu.memref_slice %arg6[%dma_wait3A_67, %mul3A_2] : memref<32x10240xf32, #tpu.memory_space<hbm>> -> memref<16x640xf32, #tpu.memory_space<hbm>>
      %dma_wait3A_69 = arith.constant 0 : i32
      %dma_wait3A_70 = tpu.memref_slice %arg6[%dma_wait3A_69, %mul3A_2] : memref<32x10240xf32, #tpu.memory_space<hbm>> -> memref<16x640xf32, #tpu.memory_space<hbm>>
      tpu.wait_dma2 semaphore(%arg19 : memref<!tpu.dma_semaphore, #tpu.memory_space<semaphore_mem>>) src(%dma_wait3A_70 : memref<16x640xf32, #tpu.memory_space<hbm>>) dst(%arg14 : memref<16x640xf32, #tpu.memory_space<vmem>>)
      %parallel_loop3A_71 = arith.constant 0 : i32
      %parallel_loop3A_72 = arith.constant 640 : i32
      %parallel_loop3A_73 = arith.constant 16 : i32
      scf.for %parallel_loop3A_120 = %parallel_loop3A_71 to %parallel_loop3A_72 step %parallel_loop3A_73  : i32 {
        %parallel_loop3A_121 = arith.constant 0 : i32
        %parallel_loop3A_122 = arith.index_cast %parallel_loop3A_121 : i32 to index
        %parallel_loop3A_123 = arith.index_cast %parallel_loop3A_120 : i32 to index
        %parallel_loop3A_124 = tpu.vector_load %arg15[%parallel_loop3A_122, %parallel_loop3A_123] {strides = array<i32>} : memref<16x640xf32, #tpu.memory_space<vmem>>, vector<16xf32>,
        %parallel_loop3A_125 = arith.constant 1 : i32
        %parallel_loop3A_126 = arith.index_cast %parallel_loop3A_125 : i32 to index
        %parallel_loop3A_127 = arith.index_cast %parallel_loop3A_120 : i32 to index
        %parallel_loop3A_128 = tpu.vector_load %arg15[%parallel_loop3A_126, %parallel_loop3A_127] {strides = array<i32>} : memref<16x640xf32, #tpu.memory_space<vmem>>, vector<16xf32>,
        %parallel_loop3A_129 = arith.addf %parallel_loop3A_124, %parallel_loop3A_128 : vector<16xf32>
        %parallel_loop3A_130 = arith.constant 2 : i32
        %parallel_loop3A_131 = arith.index_cast %parallel_loop3A_130 : i32 to index
        %parallel_loop3A_132 = arith.index_cast %parallel_loop3A_120 : i32 to index
        %parallel_loop3A_133 = tpu.vector_load %arg15[%parallel_loop3A_131, %parallel_loop3A_132] {strides = array<i32>} : memref<16x640xf32, #tpu.memory_space<vmem>>, vector<16xf32>,
        %parallel_loop3A_134 = arith.addf %parallel_loop3A_129, %parallel_loop3A_133 : vector<16xf32>
        %parallel_loop3A_135 = arith.constant 3 : i32
        %parallel_loop3A_136 = arith.index_cast %parallel_loop3A_135 : i32 to index
        %parallel_loop3A_137 = arith.index_cast %parallel_loop3A_120 : i32 to index
        %parallel_loop3A_138 = tpu.vector_load %arg15[%parallel_loop3A_136, %parallel_loop3A_137] {strides = array<i32>} : memref<16x640xf32, #tpu.memory_space<vmem>>, vector<16xf32>,
        %parallel_loop3A_139 = arith.addf %parallel_loop3A_134, %parallel_loop3A_138 : vector<16xf32>
        %parallel_loop3A_140 = arith.constant 4 : i32
        %parallel_loop3A_141 = arith.index_cast %parallel_loop3A_140 : i32 to index
        %parallel_loop3A_142 = arith.index_cast %parallel_loop3A_120 : i32 to index
        %parallel_loop3A_143 = tpu.vector_load %arg15[%parallel_loop3A_141, %parallel_loop3A_142] {strides = array<i32>} : memref<16x640xf32, #tpu.memory_space<vmem>>, vector<16xf32>,
        %parallel_loop3A_144 = arith.addf %parallel_loop3A_139, %parallel_loop3A_143 : vector<16xf32>
        %parallel_loop3A_145 = arith.constant 5 : i32
        %parallel_loop3A_146 = arith.index_cast %parallel_loop3A_145 : i32 to index
        %parallel_loop3A_147 = arith.index_cast %parallel_loop3A_120 : i32 to index
        %parallel_loop3A_148 = tpu.vector_load %arg15[%parallel_loop3A_146, %parallel_loop3A_147] {strides = array<i32>} : memref<16x640xf32, #tpu.memory_space<vmem>>, vector<16xf32>,
        %parallel_loop3A_149 = arith.addf %parallel_loop3A_144, %parallel_loop3A_148 : vector<16xf32>
        %parallel_loop3A_150 = arith.constant 6 : i32
        %parallel_loop3A_151 = arith.index_cast %parallel_loop3A_150 : i32 to index
        %parallel_loop3A_152 = arith.index_cast %parallel_loop3A_120 : i32 to index
        %parallel_loop3A_153 = tpu.vector_load %arg15[%parallel_loop3A_151, %parallel_loop3A_152] {strides = array<i32>} : memref<16x640xf32, #tpu.memory_space<vmem>>, vector<16xf32>,
        %parallel_loop3A_154 = arith.addf %parallel_loop3A_149, %parallel_loop3A_153 : vector<16xf32>
        %parallel_loop3A_155 = arith.constant 7 : i32
        %parallel_loop3A_156 = arith.index_cast %parallel_loop3A_155 : i32 to index
        %parallel_loop3A_157 = arith.index_cast %parallel_loop3A_120 : i32 to index
        %parallel_loop3A_158 = tpu.vector_load %arg15[%parallel_loop3A_156, %parallel_loop3A_157] {strides = array<i32>} : memref<16x640xf32, #tpu.memory_space<vmem>>, vector<16xf32>,
        %parallel_loop3A_159 = arith.addf %parallel_loop3A_154, %parallel_loop3A_158 : vector<16xf32>
        %parallel_loop3A_160 = arith.constant 8 : i32
        %parallel_loop3A_161 = arith.index_cast %parallel_loop3A_160 : i32 to index
        %parallel_loop3A_162 = arith.index_cast %parallel_loop3A_120 : i32 to index
        %parallel_loop3A_163 = tpu.vector_load %arg15[%parallel_loop3A_161, %parallel_loop3A_162] {strides = array<i32>} : memref<16x640xf32, #tpu.memory_space<vmem>>, vector<16xf32>,
        %parallel_loop3A_164 = arith.addf %parallel_loop3A_159, %parallel_loop3A_163 : vector<16xf32>
        %parallel_loop3A_165 = arith.constant 9 : i32
        %parallel_loop3A_166 = arith.index_cast %parallel_loop3A_165 : i32 to index
        %parallel_loop3A_167 = arith.index_cast %parallel_loop3A_120 : i32 to index
        %parallel_loop3A_168 = tpu.vector_load %arg15[%parallel_loop3A_166, %parallel_loop3A_167] {strides = array<i32>} : memref<16x640xf32, #tpu.memory_space<vmem>>, vector<16xf32>,
        %parallel_loop3A_169 = arith.addf %parallel_loop3A_164, %parallel_loop3A_168 : vector<16xf32>
        %parallel_loop3A_170 = arith.constant 10 : i32
        %parallel_loop3A_171 = arith.index_cast %parallel_loop3A_170 : i32 to index
        %parallel_loop3A_172 = arith.index_cast %parallel_loop3A_120 : i32 to index
        %parallel_loop3A_173 = tpu.vector_load %arg15[%parallel_loop3A_171, %parallel_loop3A_172] {strides = array<i32>} : memref<16x640xf32, #tpu.memory_space<vmem>>, vector<16xf32>,
        %parallel_loop3A_174 = arith.addf %parallel_loop3A_169, %parallel_loop3A_173 : vector<16xf32>
        %parallel_loop3A_175 = arith.constant 11 : i32
        %parallel_loop3A_176 = arith.index_cast %parallel_loop3A_175 : i32 to index
        %parallel_loop3A_177 = arith.index_cast %parallel_loop3A_120 : i32 to index
        %parallel_loop3A_178 = tpu.vector_load %arg15[%parallel_loop3A_176, %parallel_loop3A_177] {strides = array<i32>} : memref<16x640xf32, #tpu.memory_space<vmem>>, vector<16xf32>,
        %parallel_loop3A_179 = arith.addf %parallel_loop3A_174, %parallel_loop3A_178 : vector<16xf32>
        %parallel_loop3A_180 = arith.constant 12 : i32
        %parallel_loop3A_181 = arith.index_cast %parallel_loop3A_180 : i32 to index
        %parallel_loop3A_182 = arith.index_cast %parallel_loop3A_120 : i32 to index
        %parallel_loop3A_183 = tpu.vector_load %arg15[%parallel_loop3A_181, %parallel_loop3A_182] {strides = array<i32>} : memref<16x640xf32, #tpu.memory_space<vmem>>, vector<16xf32>,
        %parallel_loop3A_184 = arith.addf %parallel_loop3A_179, %parallel_loop3A_183 : vector<16xf32>
        %parallel_loop3A_185 = arith.constant 13 : i32
        %parallel_loop3A_186 = arith.index_cast %parallel_loop3A_185 : i32 to index
        %parallel_loop3A_187 = arith.index_cast %parallel_loop3A_120 : i32 to index
        %parallel_loop3A_188 = tpu.vector_load %arg15[%parallel_loop3A_186, %parallel_loop3A_187] {strides = array<i32>} : memref<16x640xf32, #tpu.memory_space<vmem>>, vector<16xf32>,
        %parallel_loop3A_189 = arith.addf %parallel_loop3A_184, %parallel_loop3A_188 : vector<16xf32>
        %parallel_loop3A_190 = arith.constant 14 : i32
        %parallel_loop3A_191 = arith.index_cast %parallel_loop3A_190 : i32 to index
        %parallel_loop3A_192 = arith.index_cast %parallel_loop3A_120 : i32 to index
        %parallel_loop3A_193 = tpu.vector_load %arg15[%parallel_loop3A_191, %parallel_loop3A_192] {strides = array<i32>} : memref<16x640xf32, #tpu.memory_space<vmem>>, vector<16xf32>,
        %parallel_loop3A_194 = arith.addf %parallel_loop3A_189, %parallel_loop3A_193 : vector<16xf32>
        %parallel_loop3A_195 = arith.constant 15 : i32
        %parallel_loop3A_196 = arith.index_cast %parallel_loop3A_195 : i32 to index
        %parallel_loop3A_197 = arith.index_cast %parallel_loop3A_120 : i32 to index
        %parallel_loop3A_198 = tpu.vector_load %arg15[%parallel_loop3A_196, %parallel_loop3A_197] {strides = array<i32>} : memref<16x640xf32, #tpu.memory_space<vmem>>, vector<16xf32>,
        %parallel_loop3A_199 = arith.addf %parallel_loop3A_194, %parallel_loop3A_198 : vector<16xf32>
        %parallel_loop3A_200 = arith.constant 1.000000e+00 : f32
        %parallel_loop3A_201 = vector.broadcast %parallel_loop3A_200 : f32 to vector<16xf32>
        %parallel_loop3A_202 = arith.maximumf %parallel_loop3A_199, %parallel_loop3A_201 : vector<16xf32>
        %parallel_loop3A_203 = arith.constant 1.000000e+00 : f32
        %parallel_loop3A_204 = vector.broadcast %parallel_loop3A_203 : f32 to vector<16xf32>
        %parallel_loop3A_205 = arith.divf %parallel_loop3A_204, %parallel_loop3A_202 : vector<16xf32>
        %parallel_loop3A_206 = arith.index_cast %parallel_loop3A_120 : i32 to index
        %parallel_loop3A_207 = tpu.vector_load %arg12[%parallel_loop3A_206] {strides = array<i32>} : memref<640xf32, #tpu.memory_space<vmem>>, vector<16xf32>,
        tpu.vector_store %arg12[%parallel_loop3A_206], %parallel_loop3A_205 {strides = array<i32>} : memref<640xf32, #tpu.memory_space<vmem>>, vector<16xf32>,
        %parallel_loop3A_208 = arith.constant 0 : i32
        %parallel_loop3A_209 = arith.index_cast %parallel_loop3A_208 : i32 to index
        %parallel_loop3A_210 = arith.index_cast %parallel_loop3A_120 : i32 to index
        %parallel_loop3A_211 = tpu.vector_load %arg14[%parallel_loop3A_209, %parallel_loop3A_210] {strides = array<i32>} : memref<16x640xf32, #tpu.memory_space<vmem>>, vector<16xf32>,
        %parallel_loop3A_212 = arith.constant 1 : i32
        %parallel_loop3A_213 = arith.index_cast %parallel_loop3A_212 : i32 to index
        %parallel_loop3A_214 = arith.index_cast %parallel_loop3A_120 : i32 to index
        %parallel_loop3A_215 = tpu.vector_load %arg14[%parallel_loop3A_213, %parallel_loop3A_214] {strides = array<i32>} : memref<16x640xf32, #tpu.memory_space<vmem>>, vector<16xf32>,
        %parallel_loop3A_216 = arith.addf %parallel_loop3A_211, %parallel_loop3A_215 : vector<16xf32>
        %parallel_loop3A_217 = arith.constant 2 : i32
        %parallel_loop3A_218 = arith.index_cast %parallel_loop3A_217 : i32 to index
        %parallel_loop3A_219 = arith.index_cast %parallel_loop3A_120 : i32 to index
        %parallel_loop3A_220 = tpu.vector_load %arg14[%parallel_loop3A_218, %parallel_loop3A_219] {strides = array<i32>} : memref<16x640xf32, #tpu.memory_space<vmem>>, vector<16xf32>,
        %parallel_loop3A_221 = arith.addf %parallel_loop3A_216, %parallel_loop3A_220 : vector<16xf32>
        %parallel_loop3A_222 = arith.constant 3 : i32
        %parallel_loop3A_223 = arith.index_cast %parallel_loop3A_222 : i32 to index
        %parallel_loop3A_224 = arith.index_cast %parallel_loop3A_120 : i32 to index
        %parallel_loop3A_225 = tpu.vector_load %arg14[%parallel_loop3A_223, %parallel_loop3A_224] {strides = array<i32>} : memref<16x640xf32, #tpu.memory_space<vmem>>, vector<16xf32>,
        %parallel_loop3A_226 = arith.addf %parallel_loop3A_221, %parallel_loop3A_225 : vector<16xf32>
        %parallel_loop3A_227 = arith.constant 4 : i32
        %parallel_loop3A_228 = arith.index_cast %parallel_loop3A_227 : i32 to index
        %parallel_loop3A_229 = arith.index_cast %parallel_loop3A_120 : i32 to index
        %parallel_loop3A_230 = tpu.vector_load %arg14[%parallel_loop3A_228, %parallel_loop3A_229] {strides = array<i32>} : memref<16x640xf32, #tpu.memory_space<vmem>>, vector<16xf32>,
        %parallel_loop3A_231 = arith.addf %parallel_loop3A_226, %parallel_loop3A_230 : vector<16xf32>
        %parallel_loop3A_232 = arith.constant 5 : i32
        %parallel_loop3A_233 = arith.index_cast %parallel_loop3A_232 : i32 to index
        %parallel_loop3A_234 = arith.index_cast %parallel_loop3A_120 : i32 to index
        %parallel_loop3A_235 = tpu.vector_load %arg14[%parallel_loop3A_233, %parallel_loop3A_234] {strides = array<i32>} : memref<16x640xf32, #tpu.memory_space<vmem>>, vector<16xf32>,
        %parallel_loop3A_236 = arith.addf %parallel_loop3A_231, %parallel_loop3A_235 : vector<16xf32>
        %parallel_loop3A_237 = arith.constant 6 : i32
        %parallel_loop3A_238 = arith.index_cast %parallel_loop3A_237 : i32 to index
        %parallel_loop3A_239 = arith.index_cast %parallel_loop3A_120 : i32 to index
        %parallel_loop3A_240 = tpu.vector_load %arg14[%parallel_loop3A_238, %parallel_loop3A_239] {strides = array<i32>} : memref<16x640xf32, #tpu.memory_space<vmem>>, vector<16xf32>,
        %parallel_loop3A_241 = arith.addf %parallel_loop3A_236, %parallel_loop3A_240 : vector<16xf32>
        %parallel_loop3A_242 = arith.constant 7 : i32
        %parallel_loop3A_243 = arith.index_cast %parallel_loop3A_242 : i32 to index
        %parallel_loop3A_244 = arith.index_cast %parallel_loop3A_120 : i32 to index
        %parallel_loop3A_245 = tpu.vector_load %arg14[%parallel_loop3A_243, %parallel_loop3A_244] {strides = array<i32>} : memref<16x640xf32, #tpu.memory_space<vmem>>, vector<16xf32>,
        %parallel_loop3A_246 = arith.addf %parallel_loop3A_241, %parallel_loop3A_245 : vector<16xf32>
        %parallel_loop3A_247 = arith.constant 8 : i32
        %parallel_loop3A_248 = arith.index_cast %parallel_loop3A_247 : i32 to index
        %parallel_loop3A_249 = arith.index_cast %parallel_loop3A_120 : i32 to index
        %parallel_loop3A_250 = tpu.vector_load %arg14[%parallel_loop3A_248, %parallel_loop3A_249] {strides = array<i32>} : memref<16x640xf32, #tpu.memory_space<vmem>>, vector<16xf32>,
        %parallel_loop3A_251 = arith.addf %parallel_loop3A_246, %parallel_loop3A_250 : vector<16xf32>
        %parallel_loop3A_252 = arith.constant 9 : i32
        %parallel_loop3A_253 = arith.index_cast %parallel_loop3A_252 : i32 to index
        %parallel_loop3A_254 = arith.index_cast %parallel_loop3A_120 : i32 to index
        %parallel_loop3A_255 = tpu.vector_load %arg14[%parallel_loop3A_253, %parallel_loop3A_254] {strides = array<i32>} : memref<16x640xf32, #tpu.memory_space<vmem>>, vector<16xf32>,
        %parallel_loop3A_256 = arith.addf %parallel_loop3A_251, %parallel_loop3A_255 : vector<16xf32>
        %parallel_loop3A_257 = arith.constant 10 : i32
        %parallel_loop3A_258 = arith.index_cast %parallel_loop3A_257 : i32 to index
        %parallel_loop3A_259 = arith.index_cast %parallel_loop3A_120 : i32 to index
        %parallel_loop3A_260 = tpu.vector_load %arg14[%parallel_loop3A_258, %parallel_loop3A_259] {strides = array<i32>} : memref<16x640xf32, #tpu.memory_space<vmem>>, vector<16xf32>,
        %parallel_loop3A_261 = arith.addf %parallel_loop3A_256, %parallel_loop3A_260 : vector<16xf32>
        %parallel_loop3A_262 = arith.constant 11 : i32
        %parallel_loop3A_263 = arith.index_cast %parallel_loop3A_262 : i32 to index
        %parallel_loop3A_264 = arith.index_cast %parallel_loop3A_120 : i32 to index
        %parallel_loop3A_265 = tpu.vector_load %arg14[%parallel_loop3A_263, %parallel_loop3A_264] {strides = array<i32>} : memref<16x640xf32, #tpu.memory_space<vmem>>, vector<16xf32>,
        %parallel_loop3A_266 = arith.addf %parallel_loop3A_261, %parallel_loop3A_265 : vector<16xf32>
        %parallel_loop3A_267 = arith.constant 12 : i32
        %parallel_loop3A_268 = arith.index_cast %parallel_loop3A_267 : i32 to index
        %parallel_loop3A_269 = arith.index_cast %parallel_loop3A_120 : i32 to index
        %parallel_loop3A_270 = tpu.vector_load %arg14[%parallel_loop3A_268, %parallel_loop3A_269] {strides = array<i32>} : memref<16x640xf32, #tpu.memory_space<vmem>>, vector<16xf32>,
        %parallel_loop3A_271 = arith.addf %parallel_loop3A_266, %parallel_loop3A_270 : vector<16xf32>
        %parallel_loop3A_272 = arith.constant 13 : i32
        %parallel_loop3A_273 = arith.index_cast %parallel_loop3A_272 : i32 to index
        %parallel_loop3A_274 = arith.index_cast %parallel_loop3A_120 : i32 to index
        %parallel_loop3A_275 = tpu.vector_load %arg14[%parallel_loop3A_273, %parallel_loop3A_274] {strides = array<i32>} : memref<16x640xf32, #tpu.memory_space<vmem>>, vector<16xf32>,
        %parallel_loop3A_276 = arith.addf %parallel_loop3A_271, %parallel_loop3A_275 : vector<16xf32>
        %parallel_loop3A_277 = arith.constant 14 : i32
        %parallel_loop3A_278 = arith.index_cast %parallel_loop3A_277 : i32 to index
        %parallel_loop3A_279 = arith.index_cast %parallel_loop3A_120 : i32 to index
        %parallel_loop3A_280 = tpu.vector_load %arg14[%parallel_loop3A_278, %parallel_loop3A_279] {strides = array<i32>} : memref<16x640xf32, #tpu.memory_space<vmem>>, vector<16xf32>,
        %parallel_loop3A_281 = arith.addf %parallel_loop3A_276, %parallel_loop3A_280 : vector<16xf32>
        %parallel_loop3A_282 = arith.constant 15 : i32
        %parallel_loop3A_283 = arith.index_cast %parallel_loop3A_282 : i32 to index
        %parallel_loop3A_284 = arith.index_cast %parallel_loop3A_120 : i32 to index
        %parallel_loop3A_285 = tpu.vector_load %arg14[%parallel_loop3A_283, %parallel_loop3A_284] {strides = array<i32>} : memref<16x640xf32, #tpu.memory_space<vmem>>, vector<16xf32>,
        %parallel_loop3A_286 = arith.addf %parallel_loop3A_281, %parallel_loop3A_285 : vector<16xf32>
        %parallel_loop3A_287 = arith.mulf %parallel_loop3A_286, %parallel_loop3A_205 : vector<16xf32>
        %parallel_loop3A_288 = arith.addi %mul3A_2, %parallel_loop3A_120 : i32
        %parallel_loop3A_289 = tpu.assume_multiple %parallel_loop3A_288, 16 : i32
        %parallel_loop3A_290 = arith.index_cast %parallel_loop3A_289 : i32 to index
        %parallel_loop3A_291 = tpu.vector_load %arg9[%parallel_loop3A_290] {strides = array<i32>} : memref<10240xf32, #tpu.memory_space<vmem>>, vector<16xf32>,
        %parallel_loop3A_292 = arith.addf %parallel_loop3A_291, %parallel_loop3A_287 : vector<16xf32>
        %parallel_loop3A_293 = arith.constant 5.000000e-01 : f32
        %parallel_loop3A_294 = vector.broadcast %parallel_loop3A_293 : f32 to vector<16xf32>
        %parallel_loop3A_295 = arith.mulf %parallel_loop3A_292, %parallel_loop3A_294 : vector<16xf32>
        %parallel_loop3A_296 = arith.index_cast %parallel_loop3A_120 : i32 to index
        %parallel_loop3A_297 = tpu.vector_load %arg13[%parallel_loop3A_296] {strides = array<i32>} : memref<640xf32, #tpu.memory_space<vmem>>, vector<16xf32>,
        tpu.vector_store %arg13[%parallel_loop3A_296], %parallel_loop3A_295 {strides = array<i32>} : memref<640xf32, #tpu.memory_space<vmem>>, vector<16xf32>,
      } {sc.loop_unroll_factor = 4 : i64, sc.parallel_access}
      "tpu.region"() ({
        %run_scoped3A_120 = tpu.sem_alloc : memref<!tpu.dma_semaphore, #tpu.memory_space<semaphore_mem>>
        %dma_start3A_121 = tpu.memref_slice %arg7[%mul3A_2] : memref<10240xf32, #tpu.memory_space<hbm>> -> memref<640xf32, #tpu.memory_space<hbm>>
        %dma_start3A_122 = tpu.memref_slice %arg7[%mul3A_2] : memref<10240xf32, #tpu.memory_space<hbm>> -> memref<640xf32, #tpu.memory_space<hbm>>
        tpu.enqueue_dma source(%arg13 : memref<640xf32, #tpu.memory_space<vmem>>) target(%dma_start3A_122 : memref<640xf32, #tpu.memory_space<hbm>>) target_semaphore(%run_scoped3A_120 : memref<!tpu.dma_semaphore, #tpu.memory_space<semaphore_mem>>)
        %dma_wait3A_123 = tpu.memref_slice %arg7[%mul3A_2] : memref<10240xf32, #tpu.memory_space<hbm>> -> memref<640xf32, #tpu.memory_space<hbm>>
        %dma_wait3A_124 = tpu.memref_slice %arg7[%mul3A_2] : memref<10240xf32, #tpu.memory_space<hbm>> -> memref<640xf32, #tpu.memory_space<hbm>>
        tpu.wait_dma2 semaphore(%run_scoped3A_120 : memref<!tpu.dma_semaphore, #tpu.memory_space<semaphore_mem>>) src(%arg13 : memref<640xf32, #tpu.memory_space<vmem>>) dst(%dma_wait3A_124 : memref<640xf32, #tpu.memory_space<hbm>>)
        tpu.yield
      }) : () -> ()
      %barrier3A_74 = arith.constant 0 : index
      tpu.barrier barrier_id(%barrier3A_74)
      "tpu.region"() ({
        %run_scoped3A_120 = tpu.sem_alloc : memref<!tpu.dma_semaphore, #tpu.memory_space<semaphore_mem>>
        tpu.enqueue_dma source(%arg7 : memref<10240xf32, #tpu.memory_space<hbm>>) target(%arg9 : memref<10240xf32, #tpu.memory_space<vmem>>) target_semaphore(%run_scoped3A_120 : memref<!tpu.dma_semaphore, #tpu.memory_space<semaphore_mem>>)
        tpu.wait_dma2 semaphore(%run_scoped3A_120 : memref<!tpu.dma_semaphore, #tpu.memory_space<semaphore_mem>>) src(%arg7 : memref<10240xf32, #tpu.memory_space<hbm>>) dst(%arg9 : memref<10240xf32, #tpu.memory_space<vmem>>)
        tpu.yield
      }) : () -> ()
      %barrier3A_75 = arith.constant 0 : index
      tpu.barrier barrier_id(%barrier3A_75)
      %parallel_loop3A_76 = arith.constant 0 : i32
      %parallel_loop3A_77 = arith.constant 10240 : i32
      %parallel_loop3A_78 = arith.constant 16 : i32
      scf.for %parallel_loop3A_120 = %parallel_loop3A_76 to %parallel_loop3A_77 step %parallel_loop3A_78  : i32 {
        %parallel_loop3A_121 = arith.index_cast %parallel_loop3A_120 : i32 to index
        %parallel_loop3A_122 = tpu.vector_load %arg10[%parallel_loop3A_121] {strides = array<i32>} : memref<10240xf32, #tpu.memory_space<vmem>>, vector<16xf32>,
        tpu.vector_store %arg10[%parallel_loop3A_121], %broadcast_in_dim3A_19 {strides = array<i32>} : memref<10240xf32, #tpu.memory_space<vmem>>, vector<16xf32>,
      } {sc.loop_unroll_factor = 8 : i64, sc.parallel_access}
      %add3A_79 = arith.addi %sub3A_11, %select_n3A_15 : i32
      %parallel_loop3A_80 = arith.constant 16 : i32
      scf.for %parallel_loop3A_120 = %sub3A_11 to %add3A_79 step %parallel_loop3A_80  : i32 {
        %parallel_loop3A_121 = arith.constant 1 : i32
        %parallel_loop3A_122 = arith.index_cast %parallel_loop3A_121 : i32 to index
        %parallel_loop3A_123 = arith.index_cast %parallel_loop3A_120 : i32 to index
        %parallel_loop3A_124 = tpu.vector_load %arg8[%parallel_loop3A_122, %parallel_loop3A_123] {strides = array<i32>} : memref<2x20096xi32, #tpu.memory_space<vmem>>, vector<16xi32>,
        %parallel_loop3A_125 = arith.constant 0 : i32
        %parallel_loop3A_126 = arith.index_cast %parallel_loop3A_125 : i32 to index
        %parallel_loop3A_127 = arith.index_cast %parallel_loop3A_120 : i32 to index
        %parallel_loop3A_128 = tpu.vector_load %arg8[%parallel_loop3A_126, %parallel_loop3A_127] {strides = array<i32>} : memref<2x20096xi32, #tpu.memory_space<vmem>>, vector<16xi32>,
        %parallel_loop3A_129 = tpu.vector_load_idx %arg9[%parallel_loop3A_128] : memref<10240xf32, #tpu.memory_space<vmem>>[vector<16xi32>], vector<16xf32>,
        tpu.vector_store_idx %arg10[%parallel_loop3A_124], %parallel_loop3A_129 {add = true} : memref<10240xf32, #tpu.memory_space<vmem>>[vector<16xi32>], vector<16xf32>,
      } {sc.loop_unroll_factor = 8 : i64, sc.parallel_access}
      %dma_start3A_81 = arith.constant 0 : i32
      %dma_start3A_82 = tpu.memref_slice %arg6[%arg1, %dma_start3A_81] : memref<32x10240xf32, #tpu.memory_space<hbm>> -> memref<1x10240xf32, #tpu.memory_space<hbm>>
      %dma_start3A_83 = tpu.memref_squeeze %dma_start3A_82 : memref<1x10240xf32, #tpu.memory_space<hbm>> -> memref<10240xf32, #tpu.memory_space<hbm>>
      %dma_start3A_84 = arith.constant 0 : i32
      %dma_start3A_85 = tpu.memref_slice %arg6[%arg1, %dma_start3A_84] : memref<32x10240xf32, #tpu.memory_space<hbm>> -> memref<1x10240xf32, #tpu.memory_space<hbm>>
      %dma_start3A_86 = tpu.memref_squeeze %dma_start3A_85 : memref<1x10240xf32, #tpu.memory_space<hbm>> -> memref<10240xf32, #tpu.memory_space<hbm>>
      tpu.enqueue_dma source(%arg10 : memref<10240xf32, #tpu.memory_space<vmem>>) target(%dma_start3A_86 : memref<10240xf32, #tpu.memory_space<hbm>>) target_semaphore(%arg19 : memref<!tpu.dma_semaphore, #tpu.memory_space<semaphore_mem>>)
      %dma_wait3A_87 = arith.constant 0 : i32
      %dma_wait3A_88 = tpu.memref_slice %arg6[%arg1, %dma_wait3A_87] : memref<32x10240xf32, #tpu.memory_space<hbm>> -> memref<1x10240xf32, #tpu.memory_space<hbm>>
      %dma_wait3A_89 = tpu.memref_squeeze %dma_wait3A_88 : memref<1x10240xf32, #tpu.memory_space<hbm>> -> memref<10240xf32, #tpu.memory_space<hbm>>
      %dma_wait3A_90 = arith.constant 0 : i32
      %dma_wait3A_91 = tpu.memref_slice %arg6[%arg1, %dma_wait3A_90] : memref<32x10240xf32, #tpu.memory_space<hbm>> -> memref<1x10240xf32, #tpu.memory_space<hbm>>
      %dma_wait3A_92 = tpu.memref_squeeze %dma_wait3A_91 : memref<1x10240xf32, #tpu.memory_space<hbm>> -> memref<10240xf32, #tpu.memory_space<hbm>>
      tpu.wait_dma2 semaphore(%arg19 : memref<!tpu.dma_semaphore, #tpu.memory_space<semaphore_mem>>) src(%arg10 : memref<10240xf32, #tpu.memory_space<vmem>>) dst(%dma_wait3A_92 : memref<10240xf32, #tpu.memory_space<hbm>>)
      %barrier3A_93 = arith.constant 0 : index
      tpu.barrier barrier_id(%barrier3A_93)
      %dma_start3A_94 = arith.constant 0 : i32
      %dma_start3A_95 = tpu.memref_slice %arg6[%dma_start3A_94, %mul3A_2] : memref<32x10240xf32, #tpu.memory_space<hbm>> -> memref<16x640xf32, #tpu.memory_space<hbm>>
      %dma_start3A_96 = arith.constant 0 : i32
      %dma_start3A_97 = tpu.memref_slice %arg6[%dma_start3A_96, %mul3A_2] : memref<32x10240xf32, #tpu.memory_space<hbm>> -> memref<16x640xf32, #tpu.memory_space<hbm>>
      tpu.enqueue_dma source(%dma_start3A_97 : memref<16x640xf32, #tpu.memory_space<hbm>>) target(%arg14 : memref<16x640xf32, #tpu.memory_space<vmem>>) target_semaphore(%arg19 : memref<!tpu.dma_semaphore, #tpu.memory_space<semaphore_mem>>)
      %dma_wait3A_98 = arith.constant 0 : i32
      %dma_wait3A_99 = tpu.memref_slice %arg6[%dma_wait3A_98, %mul3A_2] : memref<32x10240xf32, #tpu.memory_space<hbm>> -> memref<16x640xf32, #tpu.memory_space<hbm>>
      %dma_wait3A_100 = arith.constant 0 : i32
      %dma_wait3A_101 = tpu.memref_slice %arg6[%dma_wait3A_100, %mul3A_2] : memref<32x10240xf32, #tpu.memory_space<hbm>> -> memref<16x640xf32, #tpu.memory_space<hbm>>
      tpu.wait_dma2 semaphore(%arg19 : memref<!tpu.dma_semaphore, #tpu.memory_space<semaphore_mem>>) src(%dma_wait3A_101 : memref<16x640xf32, #tpu.memory_space<hbm>>) dst(%arg14 : memref<16x640xf32, #tpu.memory_space<vmem>>)
      %parallel_loop3A_102 = arith.constant 0 : i32
      %parallel_loop3A_103 = arith.constant 640 : i32
      %parallel_loop3A_104 = arith.constant 16 : i32
      scf.for %parallel_loop3A_120 = %parallel_loop3A_102 to %parallel_loop3A_103 step %parallel_loop3A_104  : i32 {
        %parallel_loop3A_121 = arith.constant 0 : i32
        %parallel_loop3A_122 = arith.index_cast %parallel_loop3A_121 : i32 to index
        %parallel_loop3A_123 = arith.index_cast %parallel_loop3A_120 : i32 to index
        %parallel_loop3A_124 = tpu.vector_load %arg14[%parallel_loop3A_122, %parallel_loop3A_123] {strides = array<i32>} : memref<16x640xf32, #tpu.memory_space<vmem>>, vector<16xf32>,
        %parallel_loop3A_125 = arith.constant 1 : i32
        %parallel_loop3A_126 = arith.index_cast %parallel_loop3A_125 : i32 to index
        %parallel_loop3A_127 = arith.index_cast %parallel_loop3A_120 : i32 to index
        %parallel_loop3A_128 = tpu.vector_load %arg14[%parallel_loop3A_126, %parallel_loop3A_127] {strides = array<i32>} : memref<16x640xf32, #tpu.memory_space<vmem>>, vector<16xf32>,
        %parallel_loop3A_129 = arith.addf %parallel_loop3A_124, %parallel_loop3A_128 : vector<16xf32>
        %parallel_loop3A_130 = arith.constant 2 : i32
        %parallel_loop3A_131 = arith.index_cast %parallel_loop3A_130 : i32 to index
        %parallel_loop3A_132 = arith.index_cast %parallel_loop3A_120 : i32 to index
        %parallel_loop3A_133 = tpu.vector_load %arg14[%parallel_loop3A_131, %parallel_loop3A_132] {strides = array<i32>} : memref<16x640xf32, #tpu.memory_space<vmem>>, vector<16xf32>,
        %parallel_loop3A_134 = arith.addf %parallel_loop3A_129, %parallel_loop3A_133 : vector<16xf32>
        %parallel_loop3A_135 = arith.constant 3 : i32
        %parallel_loop3A_136 = arith.index_cast %parallel_loop3A_135 : i32 to index
        %parallel_loop3A_137 = arith.index_cast %parallel_loop3A_120 : i32 to index
        %parallel_loop3A_138 = tpu.vector_load %arg14[%parallel_loop3A_136, %parallel_loop3A_137] {strides = array<i32>} : memref<16x640xf32, #tpu.memory_space<vmem>>, vector<16xf32>,
        %parallel_loop3A_139 = arith.addf %parallel_loop3A_134, %parallel_loop3A_138 : vector<16xf32>
        %parallel_loop3A_140 = arith.constant 4 : i32
        %parallel_loop3A_141 = arith.index_cast %parallel_loop3A_140 : i32 to index
        %parallel_loop3A_142 = arith.index_cast %parallel_loop3A_120 : i32 to index
        %parallel_loop3A_143 = tpu.vector_load %arg14[%parallel_loop3A_141, %parallel_loop3A_142] {strides = array<i32>} : memref<16x640xf32, #tpu.memory_space<vmem>>, vector<16xf32>,
        %parallel_loop3A_144 = arith.addf %parallel_loop3A_139, %parallel_loop3A_143 : vector<16xf32>
        %parallel_loop3A_145 = arith.constant 5 : i32
        %parallel_loop3A_146 = arith.index_cast %parallel_loop3A_145 : i32 to index
        %parallel_loop3A_147 = arith.index_cast %parallel_loop3A_120 : i32 to index
        %parallel_loop3A_148 = tpu.vector_load %arg14[%parallel_loop3A_146, %parallel_loop3A_147] {strides = array<i32>} : memref<16x640xf32, #tpu.memory_space<vmem>>, vector<16xf32>,
        %parallel_loop3A_149 = arith.addf %parallel_loop3A_144, %parallel_loop3A_148 : vector<16xf32>
        %parallel_loop3A_150 = arith.constant 6 : i32
        %parallel_loop3A_151 = arith.index_cast %parallel_loop3A_150 : i32 to index
        %parallel_loop3A_152 = arith.index_cast %parallel_loop3A_120 : i32 to index
        %parallel_loop3A_153 = tpu.vector_load %arg14[%parallel_loop3A_151, %parallel_loop3A_152] {strides = array<i32>} : memref<16x640xf32, #tpu.memory_space<vmem>>, vector<16xf32>,
        %parallel_loop3A_154 = arith.addf %parallel_loop3A_149, %parallel_loop3A_153 : vector<16xf32>
        %parallel_loop3A_155 = arith.constant 7 : i32
        %parallel_loop3A_156 = arith.index_cast %parallel_loop3A_155 : i32 to index
        %parallel_loop3A_157 = arith.index_cast %parallel_loop3A_120 : i32 to index
        %parallel_loop3A_158 = tpu.vector_load %arg14[%parallel_loop3A_156, %parallel_loop3A_157] {strides = array<i32>} : memref<16x640xf32, #tpu.memory_space<vmem>>, vector<16xf32>,
        %parallel_loop3A_159 = arith.addf %parallel_loop3A_154, %parallel_loop3A_158 : vector<16xf32>
        %parallel_loop3A_160 = arith.constant 8 : i32
        %parallel_loop3A_161 = arith.index_cast %parallel_loop3A_160 : i32 to index
        %parallel_loop3A_162 = arith.index_cast %parallel_loop3A_120 : i32 to index
        %parallel_loop3A_163 = tpu.vector_load %arg14[%parallel_loop3A_161, %parallel_loop3A_162] {strides = array<i32>} : memref<16x640xf32, #tpu.memory_space<vmem>>, vector<16xf32>,
        %parallel_loop3A_164 = arith.addf %parallel_loop3A_159, %parallel_loop3A_163 : vector<16xf32>
        %parallel_loop3A_165 = arith.constant 9 : i32
        %parallel_loop3A_166 = arith.index_cast %parallel_loop3A_165 : i32 to index
        %parallel_loop3A_167 = arith.index_cast %parallel_loop3A_120 : i32 to index
        %parallel_loop3A_168 = tpu.vector_load %arg14[%parallel_loop3A_166, %parallel_loop3A_167] {strides = array<i32>} : memref<16x640xf32, #tpu.memory_space<vmem>>, vector<16xf32>,
        %parallel_loop3A_169 = arith.addf %parallel_loop3A_164, %parallel_loop3A_168 : vector<16xf32>
        %parallel_loop3A_170 = arith.constant 10 : i32
        %parallel_loop3A_171 = arith.index_cast %parallel_loop3A_170 : i32 to index
        %parallel_loop3A_172 = arith.index_cast %parallel_loop3A_120 : i32 to index
        %parallel_loop3A_173 = tpu.vector_load %arg14[%parallel_loop3A_171, %parallel_loop3A_172] {strides = array<i32>} : memref<16x640xf32, #tpu.memory_space<vmem>>, vector<16xf32>,
        %parallel_loop3A_174 = arith.addf %parallel_loop3A_169, %parallel_loop3A_173 : vector<16xf32>
        %parallel_loop3A_175 = arith.constant 11 : i32
        %parallel_loop3A_176 = arith.index_cast %parallel_loop3A_175 : i32 to index
        %parallel_loop3A_177 = arith.index_cast %parallel_loop3A_120 : i32 to index
        %parallel_loop3A_178 = tpu.vector_load %arg14[%parallel_loop3A_176, %parallel_loop3A_177] {strides = array<i32>} : memref<16x640xf32, #tpu.memory_space<vmem>>, vector<16xf32>,
        %parallel_loop3A_179 = arith.addf %parallel_loop3A_174, %parallel_loop3A_178 : vector<16xf32>
        %parallel_loop3A_180 = arith.constant 12 : i32
        %parallel_loop3A_181 = arith.index_cast %parallel_loop3A_180 : i32 to index
        %parallel_loop3A_182 = arith.index_cast %parallel_loop3A_120 : i32 to index
        %parallel_loop3A_183 = tpu.vector_load %arg14[%parallel_loop3A_181, %parallel_loop3A_182] {strides = array<i32>} : memref<16x640xf32, #tpu.memory_space<vmem>>, vector<16xf32>,
        %parallel_loop3A_184 = arith.addf %parallel_loop3A_179, %parallel_loop3A_183 : vector<16xf32>
        %parallel_loop3A_185 = arith.constant 13 : i32
        %parallel_loop3A_186 = arith.index_cast %parallel_loop3A_185 : i32 to index
        %parallel_loop3A_187 = arith.index_cast %parallel_loop3A_120 : i32 to index
        %parallel_loop3A_188 = tpu.vector_load %arg14[%parallel_loop3A_186, %parallel_loop3A_187] {strides = array<i32>} : memref<16x640xf32, #tpu.memory_space<vmem>>, vector<16xf32>,
        %parallel_loop3A_189 = arith.addf %parallel_loop3A_184, %parallel_loop3A_188 : vector<16xf32>
        %parallel_loop3A_190 = arith.constant 14 : i32
        %parallel_loop3A_191 = arith.index_cast %parallel_loop3A_190 : i32 to index
        %parallel_loop3A_192 = arith.index_cast %parallel_loop3A_120 : i32 to index
        %parallel_loop3A_193 = tpu.vector_load %arg14[%parallel_loop3A_191, %parallel_loop3A_192] {strides = array<i32>} : memref<16x640xf32, #tpu.memory_space<vmem>>, vector<16xf32>,
        %parallel_loop3A_194 = arith.addf %parallel_loop3A_189, %parallel_loop3A_193 : vector<16xf32>
        %parallel_loop3A_195 = arith.constant 15 : i32
        %parallel_loop3A_196 = arith.index_cast %parallel_loop3A_195 : i32 to index
        %parallel_loop3A_197 = arith.index_cast %parallel_loop3A_120 : i32 to index
        %parallel_loop3A_198 = tpu.vector_load %arg14[%parallel_loop3A_196, %parallel_loop3A_197] {strides = array<i32>} : memref<16x640xf32, #tpu.memory_space<vmem>>, vector<16xf32>,
        %parallel_loop3A_199 = arith.addf %parallel_loop3A_194, %parallel_loop3A_198 : vector<16xf32>
        %parallel_loop3A_200 = arith.index_cast %parallel_loop3A_120 : i32 to index
        %parallel_loop3A_201 = tpu.vector_load %arg12[%parallel_loop3A_200] {strides = array<i32>} : memref<640xf32, #tpu.memory_space<vmem>>, vector<16xf32>,
        %parallel_loop3A_202 = arith.mulf %parallel_loop3A_199, %parallel_loop3A_201 : vector<16xf32>
        %parallel_loop3A_203 = arith.addi %mul3A_2, %parallel_loop3A_120 : i32
        %parallel_loop3A_204 = tpu.assume_multiple %parallel_loop3A_203, 16 : i32
        %parallel_loop3A_205 = arith.index_cast %parallel_loop3A_204 : i32 to index
        %parallel_loop3A_206 = tpu.vector_load %arg9[%parallel_loop3A_205] {strides = array<i32>} : memref<10240xf32, #tpu.memory_space<vmem>>, vector<16xf32>,
        %parallel_loop3A_207 = arith.addf %parallel_loop3A_206, %parallel_loop3A_202 : vector<16xf32>
        %parallel_loop3A_208 = arith.constant 5.000000e-01 : f32
        %parallel_loop3A_209 = vector.broadcast %parallel_loop3A_208 : f32 to vector<16xf32>
        %parallel_loop3A_210 = arith.mulf %parallel_loop3A_207, %parallel_loop3A_209 : vector<16xf32>
        %parallel_loop3A_211 = arith.index_cast %parallel_loop3A_120 : i32 to index
        %parallel_loop3A_212 = tpu.vector_load %arg13[%parallel_loop3A_211] {strides = array<i32>} : memref<640xf32, #tpu.memory_space<vmem>>, vector<16xf32>,
        tpu.vector_store %arg13[%parallel_loop3A_211], %parallel_loop3A_210 {strides = array<i32>} : memref<640xf32, #tpu.memory_space<vmem>>, vector<16xf32>,
      } {sc.loop_unroll_factor = 4 : i64, sc.parallel_access}
      %parallel_loop3A_105 = arith.constant 0 : i32
      %parallel_loop3A_106 = arith.constant 640 : i32
      %parallel_loop3A_107 = arith.constant 16 : i32
      %parallel_loop3A_108 = scf.for %parallel_loop3A_120 = %parallel_loop3A_105 to %parallel_loop3A_106 step %parallel_loop3A_107 iter_args(%parallel_loop3A_121 = %broadcast_in_dim3A_19) -> (vector<16xf32>)  : i32 {
        %parallel_loop3A_122 = arith.index_cast %parallel_loop3A_120 : i32 to index
        %parallel_loop3A_123 = tpu.vector_load %arg13[%parallel_loop3A_122] {strides = array<i32>} : memref<640xf32, #tpu.memory_space<vmem>>, vector<16xf32>,
        %parallel_loop3A_124 = arith.addf %parallel_loop3A_121, %parallel_loop3A_123 : vector<16xf32>
        scf.yield %parallel_loop3A_124 : vector<16xf32>
      } {sc.loop_unroll_factor = 4 : i64, sc.parallel_access}
      %barrier3A_109 = arith.constant 0 : index
      tpu.barrier barrier_id(%barrier3A_109)
      %swap3A = arith.constant 0 : index
      %swap3A_110 = tpu.vector_load %arg18[%swap3A] {strides = array<i32>} : memref<16xf32, #tpu.memory_space<vmem>>, vector<16xf32>,
      tpu.vector_store %arg18[%swap3A], %parallel_loop3A_108 {strides = array<i32>} : memref<16xf32, #tpu.memory_space<vmem>>, vector<16xf32>,
      %mul3A_111 = arith.constant 16 : i32
      %mul3A_112 = arith.muli %arg1, %mul3A_111 : i32
      %multiple_of3A_113 = tpu.assume_multiple %mul3A_112, 16 : i32
      %run_scoped3A = arith.constant 0 : i32
      "tpu.region"() ({
        %run_scoped3A_120 = tpu.sem_alloc : memref<!tpu.dma_semaphore, #tpu.memory_space<semaphore_mem>>
        %dma_start3A_121 = tpu.memref_slice %arg6[%run_scoped3A, %multiple_of3A_113] : memref<32x10240xf32, #tpu.memory_space<hbm>> -> memref<1x16xf32, #tpu.memory_space<hbm>>
        %dma_start3A_122 = tpu.memref_squeeze %dma_start3A_121 : memref<1x16xf32, #tpu.memory_space<hbm>> -> memref<16xf32, #tpu.memory_space<hbm>>
        %dma_start3A_123 = tpu.memref_slice %arg6[%run_scoped3A, %multiple_of3A_113] : memref<32x10240xf32, #tpu.memory_space<hbm>> -> memref<1x16xf32, #tpu.memory_space<hbm>>
        %dma_start3A_124 = tpu.memref_squeeze %dma_start3A_123 : memref<1x16xf32, #tpu.memory_space<hbm>> -> memref<16xf32, #tpu.memory_space<hbm>>
        tpu.enqueue_dma source(%arg18 : memref<16xf32, #tpu.memory_space<vmem>>) target(%dma_start3A_124 : memref<16xf32, #tpu.memory_space<hbm>>) target_semaphore(%run_scoped3A_120 : memref<!tpu.dma_semaphore, #tpu.memory_space<semaphore_mem>>)
        %dma_wait3A_125 = tpu.memref_slice %arg6[%run_scoped3A, %multiple_of3A_113] : memref<32x10240xf32, #tpu.memory_space<hbm>> -> memref<1x16xf32, #tpu.memory_space<hbm>>
        %dma_wait3A_126 = tpu.memref_squeeze %dma_wait3A_125 : memref<1x16xf32, #tpu.memory_space<hbm>> -> memref<16xf32, #tpu.memory_space<hbm>>
        %dma_wait3A_127 = tpu.memref_slice %arg6[%run_scoped3A, %multiple_of3A_113] : memref<32x10240xf32, #tpu.memory_space<hbm>> -> memref<1x16xf32, #tpu.memory_space<hbm>>
        %dma_wait3A_128 = tpu.memref_squeeze %dma_wait3A_127 : memref<1x16xf32, #tpu.memory_space<hbm>> -> memref<16xf32, #tpu.memory_space<hbm>>
        tpu.wait_dma2 semaphore(%run_scoped3A_120 : memref<!tpu.dma_semaphore, #tpu.memory_space<semaphore_mem>>) src(%arg18 : memref<16xf32, #tpu.memory_space<vmem>>) dst(%dma_wait3A_128 : memref<16xf32, #tpu.memory_space<hbm>>)
        tpu.yield
      }) : () -> ()
      %barrier3A_114 = arith.constant 0 : index
      tpu.barrier barrier_id(%barrier3A_114)
      %eq3A_115 = arith.constant 0 : i32
      %eq3A_116 = arith.cmpi eq, %arg1, %eq3A_115 : i32
      %convert_element_type3A_117 = arith.extui %eq3A_116 : i1 to i32
      %cond3A_118 = arith.constant 0 : i32
      %cond3A_119 = arith.cmpi ne, %convert_element_type3A_117, %cond3A_118 : i32
      scf.if %cond3A_119 {
        %run_scoped3A_120 = arith.constant 0 : i32
        "tpu.region"() ({
          %run_scoped3A_184 = tpu.sem_alloc : memref<!tpu.dma_semaphore, #tpu.memory_space<semaphore_mem>>
          %dma_start3A_185 = arith.constant 0 : i32
          %dma_start3A_186 = tpu.memref_slice %arg6[%run_scoped3A_120, %dma_start3A_185] : memref<32x10240xf32, #tpu.memory_space<hbm>> -> memref<1x256xf32, #tpu.memory_space<hbm>>
          %dma_start3A_187 = tpu.memref_squeeze %dma_start3A_186 : memref<1x256xf32, #tpu.memory_space<hbm>> -> memref<256xf32, #tpu.memory_space<hbm>>
          %dma_start3A_188 = arith.constant 0 : i32
          %dma_start3A_189 = tpu.memref_slice %arg6[%run_scoped3A_120, %dma_start3A_188] : memref<32x10240xf32, #tpu.memory_space<hbm>> -> memref<1x256xf32, #tpu.memory_space<hbm>>
          %dma_start3A_190 = tpu.memref_squeeze %dma_start3A_189 : memref<1x256xf32, #tpu.memory_space<hbm>> -> memref<256xf32, #tpu.memory_space<hbm>>
          tpu.enqueue_dma source(%dma_start3A_190 : memref<256xf32, #tpu.memory_space<hbm>>) target(%arg16 : memref<256xf32, #tpu.memory_space<vmem>>) target_semaphore(%run_scoped3A_184 : memref<!tpu.dma_semaphore, #tpu.memory_space<semaphore_mem>>)
          %dma_wait3A_191 = arith.constant 0 : i32
          %dma_wait3A_192 = tpu.memref_slice %arg6[%run_scoped3A_120, %dma_wait3A_191] : memref<32x10240xf32, #tpu.memory_space<hbm>> -> memref<1x256xf32, #tpu.memory_space<hbm>>
          %dma_wait3A_193 = tpu.memref_squeeze %dma_wait3A_192 : memref<1x256xf32, #tpu.memory_space<hbm>> -> memref<256xf32, #tpu.memory_space<hbm>>
          %dma_wait3A_194 = arith.constant 0 : i32
          %dma_wait3A_195 = tpu.memref_slice %arg6[%run_scoped3A_120, %dma_wait3A_194] : memref<32x10240xf32, #tpu.memory_space<hbm>> -> memref<1x256xf32, #tpu.memory_space<hbm>>
          %dma_wait3A_196 = tpu.memref_squeeze %dma_wait3A_195 : memref<1x256xf32, #tpu.memory_space<hbm>> -> memref<256xf32, #tpu.memory_space<hbm>>
          tpu.wait_dma2 semaphore(%run_scoped3A_184 : memref<!tpu.dma_semaphore, #tpu.memory_space<semaphore_mem>>) src(%dma_wait3A_196 : memref<256xf32, #tpu.memory_space<hbm>>) dst(%arg16 : memref<256xf32, #tpu.memory_space<vmem>>)
          tpu.yield
        }) : () -> ()
        %get3A = arith.constant 0 : index
        %get3A_121 = tpu.vector_load %arg16[%get3A] {strides = array<i32>} : memref<256xf32, #tpu.memory_space<vmem>>, vector<16xf32>,
        %get3A_122 = arith.constant 16 : index
        %get3A_123 = tpu.vector_load %arg16[%get3A_122] {strides = array<i32>} : memref<256xf32, #tpu.memory_space<vmem>>, vector<16xf32>,
        %add3A_124 = arith.addf %get3A_121, %get3A_123 : vector<16xf32>
        %get3A_125 = arith.constant 32 : index
        %get3A_126 = tpu.vector_load %arg16[%get3A_125] {strides = array<i32>} : memref<256xf32, #tpu.memory_space<vmem>>, vector<16xf32>,
        %add3A_127 = arith.addf %add3A_124, %get3A_126 : vector<16xf32>
        %get3A_128 = arith.constant 48 : index
        %get3A_129 = tpu.vector_load %arg16[%get3A_128] {strides = array<i32>} : memref<256xf32, #tpu.memory_space<vmem>>, vector<16xf32>,
        %add3A_130 = arith.addf %add3A_127, %get3A_129 : vector<16xf32>
        %get3A_131 = arith.constant 64 : index
        %get3A_132 = tpu.vector_load %arg16[%get3A_131] {strides = array<i32>} : memref<256xf32, #tpu.memory_space<vmem>>, vector<16xf32>,
        %add3A_133 = arith.addf %add3A_130, %get3A_132 : vector<16xf32>
        %get3A_134 = arith.constant 80 : index
        %get3A_135 = tpu.vector_load %arg16[%get3A_134] {strides = array<i32>} : memref<256xf32, #tpu.memory_space<vmem>>, vector<16xf32>,
        %add3A_136 = arith.addf %add3A_133, %get3A_135 : vector<16xf32>
        %get3A_137 = arith.constant 96 : index
        %get3A_138 = tpu.vector_load %arg16[%get3A_137] {strides = array<i32>} : memref<256xf32, #tpu.memory_space<vmem>>, vector<16xf32>,
        %add3A_139 = arith.addf %add3A_136, %get3A_138 : vector<16xf32>
        %get3A_140 = arith.constant 112 : index
        %get3A_141 = tpu.vector_load %arg16[%get3A_140] {strides = array<i32>} : memref<256xf32, #tpu.memory_space<vmem>>, vector<16xf32>,
        %add3A_142 = arith.addf %add3A_139, %get3A_141 : vector<16xf32>
        %get3A_143 = arith.constant 128 : index
        %get3A_144 = tpu.vector_load %arg16[%get3A_143] {strides = array<i32>} : memref<256xf32, #tpu.memory_space<vmem>>, vector<16xf32>,
        %add3A_145 = arith.addf %add3A_142, %get3A_144 : vector<16xf32>
        %get3A_146 = arith.constant 144 : index
        %get3A_147 = tpu.vector_load %arg16[%get3A_146] {strides = array<i32>} : memref<256xf32, #tpu.memory_space<vmem>>, vector<16xf32>,
        %add3A_148 = arith.addf %add3A_145, %get3A_147 : vector<16xf32>
        %get3A_149 = arith.constant 160 : index
        %get3A_150 = tpu.vector_load %arg16[%get3A_149] {strides = array<i32>} : memref<256xf32, #tpu.memory_space<vmem>>, vector<16xf32>,
        %add3A_151 = arith.addf %add3A_148, %get3A_150 : vector<16xf32>
        %get3A_152 = arith.constant 176 : index
        %get3A_153 = tpu.vector_load %arg16[%get3A_152] {strides = array<i32>} : memref<256xf32, #tpu.memory_space<vmem>>, vector<16xf32>,
        %add3A_154 = arith.addf %add3A_151, %get3A_153 : vector<16xf32>
        %get3A_155 = arith.constant 192 : index
        %get3A_156 = tpu.vector_load %arg16[%get3A_155] {strides = array<i32>} : memref<256xf32, #tpu.memory_space<vmem>>, vector<16xf32>,
        %add3A_157 = arith.addf %add3A_154, %get3A_156 : vector<16xf32>
        %get3A_158 = arith.constant 208 : index
        %get3A_159 = tpu.vector_load %arg16[%get3A_158] {strides = array<i32>} : memref<256xf32, #tpu.memory_space<vmem>>, vector<16xf32>,
        %add3A_160 = arith.addf %add3A_157, %get3A_159 : vector<16xf32>
        %get3A_161 = arith.constant 224 : index
        %get3A_162 = tpu.vector_load %arg16[%get3A_161] {strides = array<i32>} : memref<256xf32, #tpu.memory_space<vmem>>, vector<16xf32>,
        %add3A_163 = arith.addf %add3A_160, %get3A_162 : vector<16xf32>
        %get3A_164 = arith.constant 240 : index
        %get3A_165 = tpu.vector_load %arg16[%get3A_164] {strides = array<i32>} : memref<256xf32, #tpu.memory_space<vmem>>, vector<16xf32>,
        %add3A_166 = arith.addf %add3A_163, %get3A_165 : vector<16xf32>
        %reduce_sum3A = arith.constant true
        %reduce_sum3A_167 = vector.broadcast %reduce_sum3A : i1 to vector<16xi1>
        %reduce_sum3A_168 = tpu.scan <sum>, %add3A_166 masked %reduce_sum3A_167 : vector<16xf32>, vector<16xi1> -> vector<16xf32>
        %reduce_sum3A_169 = vector.extract %reduce_sum3A_168[15] : f32 from vector<16xf32>
        %mul3A_170 = arith.constant 9.99999974E-5 : f32
        %mul3A_171 = arith.mulf %reduce_sum3A_169, %mul3A_170 : f32
        %iota3A = tpu.iota {dimensions = array<i32: 0>} : vector<16xi32>
        %eq3A_172 = arith.constant 0 : i32
        %eq3A_173 = vector.broadcast %eq3A_172 : i32 to vector<16xi32>
        %eq3A_174 = arith.cmpi eq, %iota3A, %eq3A_173 : vector<16xi32>
        %jit3A_175 = arith.constant 0.000000e+00 : f32
        %broadcast_in_dim3A_176 = vector.broadcast %mul3A_171 : f32 to vector<16xf32>
        %broadcast_in_dim3A_177 = vector.broadcast %jit3A_175 : f32 to vector<16xf32>
        %select_n3A_178 = arith.select %eq3A_174, %broadcast_in_dim3A_176, %broadcast_in_dim3A_177 : vector<16xi1>, vector<16xf32>
        %get3A_179 = arith.constant 0 : index
        %get3A_180 = tpu.vector_load %arg17[%get3A_179] {strides = array<i32>} : memref<16xf32, #tpu.memory_space<vmem>>, vector<16xf32>,
        %add3A_181 = arith.addf %select_n3A_178, %get3A_180 : vector<16xf32>
        %swap3A_182 = arith.constant 0 : index
        %swap3A_183 = tpu.vector_load %arg18[%swap3A_182] {strides = array<i32>} : memref<16xf32, #tpu.memory_space<vmem>>, vector<16xf32>,
        tpu.vector_store %arg18[%swap3A_182], %add3A_181 {strides = array<i32>} : memref<16xf32, #tpu.memory_space<vmem>>, vector<16xf32>,
        "tpu.region"() ({
          %run_scoped3A_184 = tpu.sem_alloc : memref<!tpu.dma_semaphore, #tpu.memory_space<semaphore_mem>>
          tpu.enqueue_dma source(%arg18 : memref<16xf32, #tpu.memory_space<vmem>>) target(%arg5 : memref<16xf32, #tpu.memory_space<hbm>>) target_semaphore(%run_scoped3A_184 : memref<!tpu.dma_semaphore, #tpu.memory_space<semaphore_mem>>)
          tpu.wait_dma2 semaphore(%run_scoped3A_184 : memref<!tpu.dma_semaphore, #tpu.memory_space<semaphore_mem>>) src(%arg18 : memref<16xf32, #tpu.memory_space<vmem>>) dst(%arg5 : memref<16xf32, #tpu.memory_space<hbm>>)
          tpu.yield
        }) : () -> ()
      } else {
      }
    } else {
    }
    return
  }
}

module attributes {stable_mosaic.version = 14 : i64} {
  func.func @_tc_body(%arg0: i32, %arg1: memref<2048x128xf32, #tpu.memory_space<vmem>>, %arg2: memref<128x128xf32, #tpu.memory_space<vmem>>, %arg3: memref<1x128xf32, #tpu.memory_space<vmem>>, %arg4: memref<1x128xf32, #tpu.memory_space<vmem>>, %arg5: memref<1x2048x1xf32, #tpu.memory_space<vmem>>) attributes {dimension_semantics = [#tpu.dimension_semantics<arbitrary>], iteration_bounds = array<i64: 5>, scalar_prefetch = 0 : i64, scratch_operands = 0 : i64, tpu.core_type = #tpu.core_type<tc>, window_params = [{transform_indices = @transform_0, window_bounds = array<i64: 2048, 128>}, {pipeline_mode = #tpu.pipeline_mode<synchronous>, transform_indices = @transform_1, window_bounds = array<i64: 128, 128>}, {pipeline_mode = #tpu.pipeline_mode<synchronous>, transform_indices = @transform_2, window_bounds = array<i64: 1, 128>}, {pipeline_mode = #tpu.pipeline_mode<synchronous>, transform_indices = @transform_3, window_bounds = array<i64: 1, 128>}, {transform_indices = @transform_4, window_bounds = array<i64: 1, 2048, 1>}]} {
    %get3A = arith.constant 0 : index
    %get3A_0 = arith.constant 0 : index
    %get3A_1 = vector.load %arg1[%get3A, %get3A_0] : memref<2048x128xf32, #tpu.memory_space<vmem>>, vector<2048x128xf32>
    %get3A_2 = arith.constant 0 : index
    %get3A_3 = arith.constant 0 : index
    %get3A_4 = vector.load %arg2[%get3A_2, %get3A_3] : memref<128x128xf32, #tpu.memory_space<vmem>>, vector<128x128xf32>
    %dot_general3A = arith.constant dense<0.000000e+00> : vector<2048x128xf32>
    %dot_general3A_5 = tpu.matmul %get3A_1, %get3A_4, %dot_general3A {dimension_numbers = #tpu.dot_dimension_numbers<[1], [0], [0], [1], [0, 0, 1, 1], [], []>, precision = #tpu.contract_precision<fp32>, transpose_lhs_hint = false} : vector<2048x128xf32>, vector<128x128xf32>, vector<2048x128xf32> -> vector<2048x128xf32>
    %get3A_6 = arith.constant 0 : index
    %get3A_7 = arith.constant 0 : index
    %get3A_8 = vector.load %arg3[%get3A_6, %get3A_7] : memref<1x128xf32, #tpu.memory_space<vmem>>, vector<1x128xf32>
    %add3A = vector.broadcast %get3A_8 : vector<1x128xf32> to vector<2048x128xf32>
    %add3A_9 = arith.addf %dot_general3A_5, %add3A : vector<2048x128xf32>
    %max3A = arith.constant 0.000000e+00 : f32
    %max3A_10 = vector.broadcast %max3A : f32 to vector<2048x128xf32>
    %max3A_11 = arith.maximumf %add3A_9, %max3A_10 : vector<2048x128xf32>
    %get3A_12 = arith.constant 0 : index
    %get3A_13 = arith.constant 0 : index
    %get3A_14 = vector.load %arg4[%get3A_12, %get3A_13] : memref<1x128xf32, #tpu.memory_space<vmem>>, vector<1x128xf32>
    %mul3A = vector.broadcast %get3A_14 : vector<1x128xf32> to vector<2048x128xf32>
    %mul3A_15 = arith.mulf %max3A_11, %mul3A : vector<2048x128xf32>
    %reduce_sum3A = arith.constant dense<0.000000e+00> : vector<2048xf32>
    %reduce_sum3A_16 = vector.multi_reduction <add>, %mul3A_15, %reduce_sum3A [1] : vector<2048x128xf32> to vector<2048xf32>
    %mul3A_17 = arith.constant 2048 : i32
    %mul3A_18 = arith.muli %arg0, %mul3A_17 : i32
    %iota3A = tpu.iota {dimensions = array<i32: 1>} : vector<1x2048x1xi32>
    %add3A_19 = vector.broadcast %mul3A_18 : i32 to vector<1x2048x1xi32>
    %add3A_20 = arith.addi %add3A_19, %iota3A : vector<1x2048x1xi32>
    %lt3A = arith.constant 10000 : i32
    %lt3A_21 = vector.broadcast %lt3A : i32 to vector<1x2048x1xi32>
    %lt3A_22 = arith.cmpi slt, %add3A_20, %lt3A_21 : vector<1x2048x1xi32>
    %reshape3A = vector.shape_cast %reduce_sum3A_16 : vector<2048xf32> to vector<1x2048x1xf32>
    %jit3A = arith.constant 0.000000e+00 : f32
    %broadcast_in_dim3A = vector.broadcast %jit3A : f32 to vector<1x2048x1xf32>
    %select_n3A = arith.select %lt3A_22, %reshape3A, %broadcast_in_dim3A : vector<1x2048x1xi1>, vector<1x2048x1xf32>
    %swap3A = arith.constant 0 : index
    %swap3A_23 = arith.constant 0 : index
    %swap3A_24 = arith.constant 0 : index
    %swap3A_25 = vector.load %arg5[%swap3A, %swap3A_23, %swap3A_24] : memref<1x2048x1xf32, #tpu.memory_space<vmem>>, vector<1x2048x1xf32>
    tpu.vector_store %arg5[%swap3A, %swap3A_23, %swap3A_24], %select_n3A {strides = array<i32>} : memref<1x2048x1xf32, #tpu.memory_space<vmem>>, vector<1x2048x1xf32>,
    return
  }
  func.func @transform_0(%arg0: i32) -> (i32, i32) {
    %c0_i32 = arith.constant 0 : i32
    %c0_i32_0 = arith.constant 0 : i32
    return %arg0, %c0_i32 : i32, i32
  }
  func.func @transform_1(%arg0: i32) -> (i32, i32) {
    %c0_i32 = arith.constant 0 : i32
    %c0_i32_0 = arith.constant 0 : i32
    %c0_i32_1 = arith.constant 0 : i32
    return %c0_i32, %c0_i32_0 : i32, i32
  }
  func.func @transform_2(%arg0: i32) -> (i32, i32) {
    %c0_i32 = arith.constant 0 : i32
    %c0_i32_0 = arith.constant 0 : i32
    %c0_i32_1 = arith.constant 0 : i32
    return %c0_i32, %c0_i32_0 : i32, i32
  }
  func.func @transform_3(%arg0: i32) -> (i32, i32) {
    %c0_i32 = arith.constant 0 : i32
    %c0_i32_0 = arith.constant 0 : i32
    %c0_i32_1 = arith.constant 0 : i32
    return %c0_i32, %c0_i32_0 : i32, i32
  }
  func.func @transform_4(%arg0: i32) -> (i32, i32, i32) {
    %c0_i32 = arith.constant 0 : i32
    %c0_i32_0 = arith.constant 0 : i32
    %c0_i32_1 = arith.constant 0 : i32
    return %arg0, %c0_i32, %c0_i32_0 : i32, i32, i32
  }
}

</mosaic_0001>

<sc_bundles>
// kernel: kernel.4.cloned.1.call-start
scs
__scs_entry_jumppad:
0x0: {  	(pc) =	sbr.rel $0x88, $3  }
0x1: {  	(tag) =	ssettag $0x0;
	lr =	simm.s32 $0x1  }
0x2: {  	[smem:$0x3F9B] =	sst lr;
	_ =	strace $0xD0000000  }
0x3: {  	_ = 	snop  }
0x4: {  	_ = 	snop  }
0x5: {  	_ = 	snop  }
0x6: {  	_ = 	snop  }
0x7: {  	_ = 	snop  }
__scs_overlays_trampoline_lowered:
0x8: {  	[smem:$0x3FAA] =	sst s0  }
0x9: {  	[smem:$0x3FAB] =	sst s1  }
0xa: {  	[smem:$0x3FAC] =	sst s2  }
0xb: {  	[smem:$0x3FAD] =	sst s3  }
0xc: {  	[smem:$0x3FAE] =	sst s4  }
0xd: {  	[smem:$0x3FAF] =	sst s5  }
0xe: {  	[smem:$0x3FB0] =	sst s6  }
0xf: {  	[smem:$0x3FB1] =	sst s7  }
0x10: {  	[smem:$0x3FB2] =	sst s8  }
0x11: {  	[smem:$0x3FB3] =	sst s9;
	s0 =	simm.s32 @!p0 $0x0  }
0x12: {  	s1 =	sld [smem:$0x3F99];
	s0 =	simm.s32 @p0 $0x1  }
0x13: {  	[smem:$0x3FB4] =	sst s0;
	s0 =	simm.s32 @!p1 $0x0  }
0x14: {  	s2 =	sld [smem:$0x3F98];
	s0 =	simm.s32 @p1 $0x1  }
0x15: {  	[smem:$0x3FB5] =	sst s0;
	s0 =	simm.s32 @!p2 $0x0  }
0x16: {  	s3 =	sld [smem:$0x3FDB];
	s0 =	simm.s32 @p2 $0x1  }
0x17: {  	s4 =	simm.s32 $0x1BF5;
	[smem:$0x3FB7] =	sst s0  }
0x18: {  	s0 =	sld [smem:$0x3F9A];
	_ =	swait.ge [sflag:s4], $0x0  }
0x19: {  	s7 =	sld [smem:$0x3F9B]  }
0x1a: {  	s8 =	sadd.s32 $0xFFFFE003, lr  }
0x1b: {  	s9 =	sadd.s32 $0xFFFFFEF7, lr;
	s5 =	simm.s32 $0xFFFFFFFF;
	p2 =	slt.u32 s8, $0xFFFFF086  }
0x1c: {  	p1 =	slt.u32 s9, $0xF7A;
	s5 =	simm.s32 @!p2 $0x0  }
0x1d: {  	s5 =	simm.s32 @p1 $0x1;
	p0 =	seq.s32 s7, s2  }
0x1e: {  	s7 =	smul.u32 @!p0 $0xF7A, s2;
	p2 =	seq.s32 @!p0 s5, $0x0  }
0x1f: {  	s9 =	smul.u32 $0xF7A, s1;
	s8 =	simm.s32 @!p0 $0x1BF5;
	p2 =	por !p2, p0  }
0x20: {  	[sflag:s8] =	ssyncset.s32 @!p0 $0xFFFFF086;
	s6 =	sadd.s32 @!p0 s3, s7;
	s7 =	simm.s32 @!p0 $0x108  }
0x21: {  	s3 =	sadd.s32 s3, s9;
	s6 =	sadd.s32 @!p0 $0x88, s6;
	s7 =	simm.s32 @p2 $0x1082  }
0x22: {  	[simem:s7], [sflag:s8] =	dma.local @!p0 [hbm:s6], $0xF7A  }
0x23: {  	s9 =	sor.u32 $0xD0000000, s2;
	s6 =	simm.s32 $0x108;
	_ =	swait.ge @!p0 [sflag:s8], $0x0  }
0x24: {  	s3 =	sadd.s32 $0x88, s3;
	s6 =	simm.s32 @!p1 $0x1082;
	[sflag:s4] =	ssyncset.s32 $0xFFFFF086  }
0x25: {  	[simem:s6], [sflag:s4] =	dma.local [hbm:s3], $0xF7A  }
0x26: {  	[smem:$0x3F9B] =	sst s1;
	(tag) =	ssettag s2;
	_ =	strace s9  }
0x27: {  	s1 =	sld [smem:$0x3FAB]  }
0x28: {  	s2 =	sld [smem:$0x3FAC]  }
0x29: {  	s4 =	sld [smem:$0x3FAE]  }
0x2a: {  	p0 =	seq.s32 s5, $0x0;
	s5 =	sld [smem:$0x3FAF]  }
0x2b: {  	s6 =	sld [smem:$0x3FB0]  }
0x2c: {  	s7 =	sld [smem:$0x3FB1]  }
0x2d: {  	s3 =	simm.s32 $0x108;
	s8 =	sld [smem:$0x3FB2]  }
0x2e: {  	s3 =	simm.s32 @!p0 $0x1082;
	s9 =	sld [smem:$0x3FB3]  }
0x2f: {  	lr =	sadd.s32 s0, s3;
	s0 =	sld [smem:$0x3FAA]  }
0x30: {  	s3 =	sld [smem:$0x3FAD]  }
0x31: {  	[smem:$0x3FB6] =	sst s10  }
0x32: {  	s10 =	sld [smem:$0x3FB4];
	_ =	sdelay $0x3  }
0x33: {  	p0 =	seq.s32 s10, $0x1;
	s10 =	sld [smem:$0x3FB6];
	_ =	sdelay $0x3  }
0x34: {  	[smem:$0x3FB6] =	sst s10  }
0x35: {  	s10 =	sld [smem:$0x3FB5];
	_ =	sdelay $0x3  }
0x36: {  	p1 =	seq.s32 s10, $0x1;
	s10 =	sld [smem:$0x3FB6];
	_ =	sdelay $0x3  }
0x37: {  	[smem:$0x3FB6] =	sst s10  }
0x38: {  	s10 =	sld [smem:$0x3FB7]  }
0x39: {  	_ = 	snop;
	(pc) =	sbr.ind lr, $3  }
0x3a: {  	_ = 	snop  }
0x3b: {  	_ = 	snop  }
0x3c: {  	p2 =	seq.s32 s10, $0x1;
	s10 =	sld [smem:$0x3FB6]  }
0x3d: {  	_ =	shalt  }
0x3e: {  	_ =	shalt  }
0x3f: {  	_ =	shalt  }
0x40: {  	_ =	shalt  }
0x41: {  	_ =	shalt  }
0x42: {  	_ =	shalt  }
0x43: {  	_ =	shalt  }
0x44: {  	_ =	shalt  }
0x45: {  	_ =	shalt  }
0x46: {  	_ =	shalt  }
0x47: {  	_ =	shalt  }
0x48: {  	_ =	shalt  }
0x49: {  	_ =	shalt  }
0x4a: {  	_ =	shalt  }
0x4b: {  	_ =	shalt  }
0x4c: {  	_ =	shalt  }
0x4d: {  	_ =	shalt  }
0x4e: {  	_ =	shalt  }
0x4f: {  	_ =	shalt  }
0x50: {  	_ =	shalt  }
0x51: {  	_ =	shalt  }
0x52: {  	_ =	shalt  }
0x53: {  	_ =	shalt  }
0x54: {  	_ =	shalt  }
0x55: {  	_ =	shalt  }
0x56: {  	_ =	shalt  }
0x57: {  	_ =	shalt  }
0x58: {  	_ =	shalt  }
0x59: {  	_ =	shalt  }
0x5a: {  	_ =	shalt  }
0x5b: {  	_ =	shalt  }
0x5c: {  	_ =	shalt  }
0x5d: {  	_ =	shalt  }
0x5e: {  	_ =	shalt  }
0x5f: {  	_ =	shalt  }
0x60: {  	_ =	shalt  }
0x61: {  	_ =	shalt  }
0x62: {  	_ =	shalt  }
0x63: {  	_ =	shalt  }
0x64: {  	_ =	shalt  }
0x65: {  	_ =	shalt  }
0x66: {  	_ =	shalt  }
0x67: {  	_ =	shalt  }
0x68: {  	_ =	shalt  }
0x69: {  	_ =	shalt  }
0x6a: {  	_ =	shalt  }
0x6b: {  	_ =	shalt  }
0x6c: {  	_ =	shalt  }
0x6d: {  	_ =	shalt  }
0x6e: {  	_ =	shalt  }
0x6f: {  	_ =	shalt  }
0x70: {  	_ =	shalt  }
0x71: {  	_ =	shalt  }
0x72: {  	_ =	shalt  }
0x73: {  	_ =	shalt  }
0x74: {  	_ =	shalt  }
0x75: {  	_ =	shalt  }
0x76: {  	_ =	shalt  }
0x77: {  	_ =	shalt  }
0x78: {  	_ =	shalt  }
0x79: {  	_ =	shalt  }
0x7a: {  	_ =	shalt  }
0x7b: {  	_ =	shalt  }
0x7c: {  	_ =	shalt  }
0x7d: {  	_ =	shalt  }
0x7e: {  	_ =	shalt  }
0x7f: {  	_ =	shalt  }
0x80: {  	_ =	shalt  }
0x81: {  	_ =	shalt  }
0x82: {  	_ =	shalt  }
0x83: {  	_ =	shalt  }
0x84: {  	_ =	shalt  }
0x85: {  	_ =	shalt  }
0x86: {  	_ =	shalt  }
0x87: {  	_ =	shalt  }
.Lfunc_end0:
.L_simem_size_0:
called_computation_lowered:
.L_overlay_start_0:
0x88: {  	s2 =	sld [smem:$0x3FD9]  }
0x89: {  	s3 =	sld [smem:$0x3FFE];
	_ =	sdelay $0x1  }
0x8a: {  	s1 =	srdreg.scid  }
0x8b: {  	s0 =	sand.u32 $0x1, s1  }
0x8c: {  	s17 =	sshll.u32 s0, $0xA;
	s2 =	sadd.s32 s3, s2  }
0x8d: {  	s2 =	sadd.s32 s2, s17  }
0x8e: {  	[smem:$0x3FC2] =	sst s2  }
0x8f: {  	_ = 	snop  }
0x90: {  	s2 =	sld [smem:$0x3FC8]  }
0x91: {  	s18 =	sld [smem:$0x3FD0];
	(tm) =	ssettm $0x1  }
0x92: {  	s4 =	sld [smem:$0x3FFB];
	_ =	sdelay $0x3  }
0x93: {  	_ =	strace s4  }
0x94: {  	s4 =	sld [smem:$0x3FFC];
	_ =	sdelay $0x3  }
0x95: {  	_ =	strace s4  }
0x96: {  	s4 =	sld [smem:$0x3FFD];
	_ =	sdelay $0x3  }
0x97: {  	_ =	strace s4  }
0x98: {  	_ =	strace $0x8FFFFFFF  }
0x99: {  	s19 =	sld [smem:$0x3FDB];
	_ =	sdelay $0x1  }
0x9a: {  	s5 =	simm.s32 $_scs_section_size  }
0x9b: {  	s6 =	simm.s32 $_size__tile_overlayer_lowered;
	s7 =	simm.s32 $_tile_overlayer_lowered  }
0x9c: {  	s22 =	simm.s32 $0x1BFF;
	s21 =	sshll.u32 s7, $0x1;
	s4 =	sadd.s32 s5, s19  }
0x9d: {  	s8 =	simm.s32 $0x0;
	s20 =	sshll.u32 s6, $0x1;
	s6 =	sadd.s32 s21, s4  }
0x9e: {  	[timem:s8], [sflag:s22] =	dma.local [hbm:s6], s20  }
0x9f: {  	_ =	swait.ge [sflag:s22], s20  }
0xa0: {  	s5 =	ssub.s32 $0x0, s20;
	[sflag:s22] =	ssyncset.done $0x0  }
0xa1: {  	[sflag:s22] =	ssyncadd.s32 s5;
	_ =	sdelay $0x1  }
0xa2: {  	s23 =	simm.s32 $0x1B8B  }
0xa3: {  	_ =	swait.ge [sflag:s23], $0x1  }
0xa4: {  	[sflag:s23] =	ssyncset.done $0x0  }
0xa5: {  	s25 =	simm.s32 $0x1B8E;
	s24 =	sld [smem:$0x3FFE];
	[sflag:s23] =	ssyncadd.s32 $0xFFFFFFFF  }
0xa6: {  	s26 =	simm.s32 $execute0_lowered;
	[smem:$0x3FD2] =	sst s25  }
0xa7: {  	s6 =	sshll.u32 s26, $0x1;
	_ =	strace $0x80000046;
	[dreg:$0x1] =	wrdreg $0xFFFFFFFF  }
0xa8: {  	s28 =	simm.s32 $_size_execute0_lowered;
	s4 =	sadd.s32 s4, s6;
	[dreg:$0x0] =	wrdreg $0x0  }
0xa9: {  	s6 =	sshll.u32 s28, $0x1;
	[dreg:$0x2] =	wrdreg s4  }
0xaa: {  	[dreg:$0x3] =	wrdreg s6  }
0xab: {  	[dreg:$0x4] =	wrdreg $0xC0  }
0xac: {  	_ =	task [dreg:s8], $0x5FFFF  }
0xad: {  	[dreg:$0x1] =	wrdreg $0xFFFFFFFF  }
0xae: {  	[dreg:$0x0] =	wrdreg $0x60  }
0xaf: {  	[dreg:$0x2] =	wrdreg s24  }
0xb0: {  	[dreg:$0x3] =	wrdreg s2  }
0xb1: {  	[dreg:$0x4] =	wrdreg s18  }
0xb2: {  	[dreg:$0x5] =	wrdreg $0x9  }
0xb3: {  	_ =	task.clear_ibuf [dreg:s8], $0x6FFFF;
	_ =	strace $0x90000046  }
0xb4: {  	s29 =	simm.s32 $0x9;
	_ =	strace $0x80000048  }
0xb5: {  	_ =	swait.ge [sflag:s29], $0x1  }
0xb6: {  	[sflag:s29] =	ssyncadd.s32 $0xFFFFFFFF  }
0xb7: {  	_ =	strace $0x90000048  }
0xb8: {  	_ =	sfence  }
0xb9: {  	s30 =	sld [smem:$0x0];
	_ =	sdelay $0x2  }
0xba: {  	s31 =	sshll.u32 s1, $0xD;
	s1 =	sshrl.u32 s1, $0x2  }
0xbb: {  	s3 =	sand.u32 $0x4000, s31;
	s1 =	sadd.s32 s1, s30  }
0xbc: {  	s0 =	sor.u32 s3, s0;
	s1 =	sshll.u32 s1, $0x11  }
0xbd: {  	s0 =	sor.u32 s1, s0  }
0xbe: {  	s0 =	sadd.s32 $0x8F2B, s0  }
0xbf: {  	[sflag:s0] =	ssyncadd.remote.s32 $0x1  }
0xc0: {  	_ =	sfence.sel $0xFFFF  }
0xc1: {  	[dreg:$0x0] =	wrdreg $0xFFFFFFFF;
	(pc) =	sbr.abs _section_cstart, $3  }
0xc2: {  	[dreg:$0x1] =	wrdreg $0xFFFFFFFF  }
0xc3: {  	_ =	task.clear_ibuf [dreg:s8], $0x2FFFF;
	_ =	strace $0x9FFFFFFF  }
0xc4: {  	(tm) =	ssettm $0x7FFFFFFF  }
0xc5: {  	_ =	shalt  }
tec
execute0_lowered:
.L_overlay_start_1:
0x0: {  	(tag) =	ssettag $0x1  }
0x1: {  	s2 =	srdreg.scid  }
0x2: {  	s2 =	sand.u32 $0x1, s2  }
0x3: {  	p0 =	seq.s32 s2, $0x1  }
.Ltmp0:
0x4: {  	_ = 	snop;
	(pc) =	sbr.rel @p0 .LBB2_16-.Ltmp0, $4  }
0x5: {  	s0 =	rddreg [dreg:$0x0]  }
0x6: {  	s4 =	rddreg [dreg:$0x1];
	s1 =	simm.s32 $0x0  }
0x7: {  	[smem:$0x7FF] =	sst s1  }
0x8: {  	s3 =	rddreg [dreg:$0x3];
	s8 =	stileid.u32;
	_ =	strace $0x80000047  }
0x9: {  	s2 =	smul.u32 $0x4E00, s8  }
0xa: {  	s3 =	smul.u32 $0x4E80, s8  }
0xb: {  	p0 =	slt.u32 s8, $0x4;
	s2 =	sadd.s32 $0x200, s2  }
0xc: {  	s2 =	smov.u32 @p0 s3  }
0xd: {  	s3 =	smin.u32 s2, $0x49380  }
0xe: {  	s5 =	sshrl.u32 s3, $0x2  }
0xf: {  	s4 =	sadd.s32 s4, s5  }
0x10: {  	[tilespmem:s1], [sflag:$0x1] =	stream.linear.gather [hbm4b:s4+s1], $0x9D00, $0x38;
	[tilespmem:$0x16C00] =	vst v63  }
0x11: {  	s19 =	sadd.s32 $0xA00, s0;
	s20 =	simm.s32 $0x9D00  }
0x12: {  	[tilespmem:s20], [sflag:$0x2] =	stream.linear.gather [hbm4b:s19+s1], $0x2800, $0x38;
	[tilespmem:$0x16C00] =	vst v63  }
0x13: {  	s21 =	sadd.s32 $0x1000, s0;
	s22 =	simm.s32 $0x16B00;
	s23 =	simm.s32 $0x3  }
0x14: {  	[tilespmem:s22], [sflag:$0x3] =	stream.linear.gather [hbm4b:s21+s1], $0x80, $0x38;
	[tilespmem:$0x16C00] =	vst v63  }
0x15: {  	_ =	swait.ge [sflag:s23], $0x80  }
0x16: {  	[sflag:s23] =	ssyncset.done $0x0  }
0x17: {  	v0 =	vimm.f32 $0.0e+00;
	s4 =	simm.s32 $0xC540;
	[sflag:s23] =	ssyncadd.s32 $0xFFFFFF80  }
0x18: {  	[tilespmem:s4+$0x30] =	vst v0  }
0x19: {  	[tilespmem:s4+$0xFFFFFFF0] =	vst v0  }
0x1a: {  	[tilespmem:s4+$0xFFFFFFC0] =	vst v0  }
0x1b: {  	[tilespmem:s4+$0xFFFFFFE0] =	vst v0  }
0x1c: {  	[tilespmem:s4+$0x10] =	vst v0  }
0x1d: {  	[tilespmem:s4+$0x20] =	vst v0  }
0x1e: {  	s5 =	simm.s32 $0xED40;
	[tilespmem:s4+$0x0] =	vst v0  }
0x1f: {  	[tilespmem:s5+$0xFFFFFFC0] =	vst v0  }
0x20: {  	s9 =	sadd.s32 $0x1200, s0;
	s24 =	sshrl.u32 s8, $0x3;
	s29 =	smul.u32 $0x1400, s8;
	[tilespmem:s5+$0x30] =	vst v0  }
0x21: {  	s14 =	sadd.s32 $0xB200, s0;
	s26 =	sshll.u32 s8, $0x7;
	s25 =	smul.u32 $0x14000, s24;
	[tilespmem:s5+$0x20] =	vst v0  }
0x22: {  	s10 =	smul.u32 $0x280, s8;
	s6 =	simm.s32 $0x4E80;
	s7 =	sand.u32 $0x380, s26;
	[tilespmem:s5+$0x10] =	vst v0  }
0x23: {  	s30 =	sshll.u32 s8, $0x4;
	s0 =	sor.u32 s7, s25;
	s7 =	sshrl.u32 s29, $0x3;
	[tilespmem:s5+$0xFFFFFFE0] =	vst v0  }
0x24: {  	s6 =	simm.s32 @!p0 $0x4E00;
	s31 =	sshrl.u32 s10, $0x3;
	s8 =	sadd.s32 s9, s7;
	[tilespmem:s5+$0x0] =	vst v0  }
0x25: {  	s7 =	sadd.s32 s14, s31;
	s13 =	ssub.s32 s2, s3;
	s1 =	sor.u32 s30, s26;
	[tilespmem:s5+$0xFFFFFFF0] =	vst v0  }
0x26: {  	s12 =	sadd.s32 s6, s13;
	s6 =	sand.u32 $0x470, s1;
	[smem:$0x7FA] =	sst s14  }
0x27: {  	s28 =	sshrl.u32 s0, $0x3;
	s6 =	sshrl.u32 s6, $0x3;
	[smem:$0x7FB] =	sst s7  }
0x28: {  	s0 =	sadd.s32 $0x28000, s0;
	s6 =	sadd.s32 s9, s6;
	[smem:$0x7FC] =	sst s9  }
0x29: {  	s11 =	sadd.s32 s9, s28;
	s0 =	sshrl.u32 s0, $0x3;
	[smem:$0x7FD] =	sst s6  }
0x2a: {  	s0 =	sadd.s32 s9, s0;
	s1 =	sadd.s32 $0x5000, s8;
	s6 =	simm.s32 $0x0;
	[tilespmem:s4+$0xFFFFFFD0] =	vst v0  }
.LBB2_2:
0x2b: {  	s6 =	sadd.s32 $0x80, s6;
	[tilespmem:s5+$0xFFFFFFD0] =	vst v0;
	s4 =	sadd.s32 $0x80, s4;
	s5 =	sadd.s32 $0x80, s5  }
0x2c: {  	[tilespmem:s4+$0x30] =	vst v0;
	p0 =	slt.u32 s6, $0x2780  }
0x2d: {  	[tilespmem:s4+$0xFFFFFFF0] =	vst v0  }
0x2e: {  	[tilespmem:s4+$0xFFFFFFC0] =	vst v0  }
0x2f: {  	[tilespmem:s5+$0xFFFFFFC0] =	vst v0  }
0x30: {  	[tilespmem:s5+$0x30] =	vst v0  }
0x31: {  	[tilespmem:s4+$0xFFFFFFE0] =	vst v0  }
0x32: {  	[tilespmem:s4+$0x10] =	vst v0  }
0x33: {  	[tilespmem:s4+$0x20] =	vst v0  }
0x34: {  	[tilespmem:s5+$0x20] =	vst v0  }
0x35: {  	[tilespmem:s5+$0x10] =	vst v0  }
.Ltmp1:
0x36: {  	[tilespmem:s5+$0xFFFFFFE0] =	vst v0;
	(pc) =	sbr.rel @p0 .LBB2_2-.Ltmp1, $4  }
0x37: {  	[tilespmem:s4+$0x0] =	vst v0  }
0x38: {  	[tilespmem:s5+$0x0] =	vst v0  }
0x39: {  	[tilespmem:s5+$0xFFFFFFF0] =	vst v0  }
0x3a: {  	[tilespmem:s4+$0xFFFFFFD0] =	vst v0  }
0x3b: {  	[tilespmem:s5+$0xFFFFFFD0] =	vst v0;
	s4 =	simm.s32 $0x1  }
0x3c: {  	_ =	swait.ge [sflag:s4], $0x9D00  }
0x3d: {  	s31 =	simm.s32 $0x2;
	[sflag:s4] =	ssyncset.done $0x0  }
0x3e: {  	s2 =	sshll.u32 s2, $0x3;
	s3 =	sshll.u32 s3, $0x3;
	[sflag:s4] =	ssyncadd.s32 $0xFFFF6300  }
0x3f: {  	s2 =	ssub.s32 s2, s3;
	_ =	swait.ge [sflag:s31], $0x2800  }
0x40: {  	s2 =	sadd.s32 $0x200, s2;
	[sflag:s31] =	ssyncset.done $0x0  }
0x41: {  	s6 =	sshra.s32 s2, $0x2;
	[sflag:s31] =	ssyncadd.s32 $0xFFFFD800  }
0x42: {  	v1 =	vld [tilespmem:s6+$0xFFFFFFF0]  }
0x43: {  	v2 =	vld [tilespmem:s6+$0xFFFFFF80]  }
0x44: {  	v3 =	vld [tilespmem:s6+$0xFFFFFF90]  }
0x45: {  	v4 =	vld [tilespmem:s6+$0xFFFFFFA0]  }
0x46: {  	v5 =	vld [tilespmem:s6+$0xFFFFFFB0]  }
0x47: {  	v6 =	vld [tilespmem:s6+$0xFFFFFFC0]  }
0x48: {  	v7 =	vld [tilespmem:s6+$0x70]  }
0x49: {  	v8 =	vld [tilespmem:s6+$0xFFFFFFD0]  }
0x4a: {  	v9 =	vld [tilespmem:s6+$0xFFFFFFE0]  }
0x4b: {  	v63 =	vld [tilespmem:s6+$0x10]  }
0x4c: {  	v10 =	vld [tilespmem:s6+$0x20]  }
0x4d: {  	v11 =	vld [tilespmem:s6+$0x30]  }
0x4e: {  	v12 =	vld [tilespmem:s6+$0x40]  }
0x4f: {  	v13 =	vld [tilespmem:s6+$0x50]  }
0x50: {  	s2 =	simm.s32 $0x9D00;
	v14 =	vld [tilespmem:s6+$0x0]  }
0x51: {  	v1 =	vld.idx.msk [tilespmem:v1+s2+$0x0], $0xffff  }
0x52: {  	v2 =	vld.idx.msk [tilespmem:v2+s2+$0x0], $0xffff  }
0x53: {  	v3 =	vld.idx.msk [tilespmem:v3+s2+$0x0], $0xffff  }
0x54: {  	v4 =	vld.idx.msk [tilespmem:v4+s2+$0x0], $0xffff  }
0x55: {  	v5 =	vld.idx.msk [tilespmem:v5+s2+$0x0], $0xffff  }
0x56: {  	v6 =	vld.idx.msk [tilespmem:v6+s2+$0x0], $0xffff  }
0x57: {  	v62 =	vld.idx.msk [tilespmem:v8+s2+$0x0], $0xffff  }
0x58: {  	s3 =	simm.s32 $0xC500;
	v9 =	vld.idx.msk [tilespmem:v9+s2+$0x0], $0xffff  }
0x59: {  	[tilespmem:v7+s3+$0x0] =	vst.idx.add.f32.msk $0xffff, v1  }
0x5a: {  	v1 =	vld [tilespmem:s6+$0x60]  }
0x5b: {  	[tilespmem:v63+s3+$0x0] =	vst.idx.add.f32.msk $0xffff, v3  }
0x5c: {  	[tilespmem:v10+s3+$0x0] =	vst.idx.add.f32.msk $0xffff, v4  }
0x5d: {  	[tilespmem:v11+s3+$0x0] =	vst.idx.add.f32.msk $0xffff, v5  }
0x5e: {  	[tilespmem:v14+s3+$0x0] =	vst.idx.add.f32.msk $0xffff, v2  }
0x5f: {  	[tilespmem:v12+s3+$0x0] =	vst.idx.add.f32.msk $0xffff, v6  }
0x60: {  	v0 =	vimm.f32 $1.000000000e+00;
	s4 =	simm.s32 $0xED00;
	[tilespmem:v13+s3+$0x0] =	vst.idx.add.f32.msk $0xffff, v62  }
0x61: {  	[tilespmem:v7+s4+$0x0] =	vst.idx.add.f32.msk $0xffff, v0  }
0x62: {  	[tilespmem:v63+s4+$0x0] =	vst.idx.add.f32.msk $0xffff, v0  }
0x63: {  	s5 =	sadd.s32 $0x80, s13;
	[tilespmem:v10+s4+$0x0] =	vst.idx.add.f32.msk $0xffff, v0  }
0x64: {  	p0 =	slt.u32 s5, s12;
	[tilespmem:v11+s4+$0x0] =	vst.idx.add.f32.msk $0xffff, v0  }
.Ltmp2:
0x65: {  	[tilespmem:v14+s4+$0x0] =	vst.idx.add.f32.msk $0xffff, v0;
	(pc) =	sbr.rel @!p0 .LBB2_5-.Ltmp2, $4  }
0x66: {  	[tilespmem:v12+s4+$0x0] =	vst.idx.add.f32.msk $0xffff, v0  }
0x67: {  	[tilespmem:v13+s4+$0x0] =	vst.idx.add.f32.msk $0xffff, v0  }
0x68: {  	[tilespmem:v1+s3+$0x0] =	vst.idx.add.f32.msk $0xffff, v9  }
0x69: {  	[smem:$0x7F5] =	sst s6;
	s6 =	sadd.s32 $0x100, s6  }
.LBB2_4:
0x6a: {  	v2 =	vld [tilespmem:s6+$0xFFFFFFF0]  }
0x6b: {  	s5 =	sadd.s32 $0x80, s5;
	v3 =	vld [tilespmem:s6+$0xFFFFFF80]  }
0x6c: {  	p0 =	slt.u32 s5, s12;
	v4 =	vld [tilespmem:s6+$0xFFFFFF90]  }
0x6d: {  	v5 =	vld [tilespmem:s6+$0xFFFFFFA0]  }
0x6e: {  	v6 =	vld [tilespmem:s6+$0xFFFFFFB0]  }
0x6f: {  	v7 =	vld [tilespmem:s6+$0xFFFFFFC0]  }
0x70: {  	v8 =	vld [tilespmem:s6+$0x70]  }
0x71: {  	v9 =	vld [tilespmem:s6+$0xFFFFFFD0]  }
0x72: {  	v2 =	vld.idx.msk [tilespmem:v2+s2+$0x0], $0xffff  }
0x73: {  	v10 =	vld [tilespmem:s6+$0xFFFFFFE0]  }
0x74: {  	v3 =	vld.idx.msk [tilespmem:v3+s2+$0x0], $0xffff  }
0x75: {  	v4 =	vld.idx.msk [tilespmem:v4+s2+$0x0], $0xffff  }
0x76: {  	v5 =	vld.idx.msk [tilespmem:v5+s2+$0x0], $0xffff  }
0x77: {  	v6 =	vld.idx.msk [tilespmem:v6+s2+$0x0], $0xffff  }
0x78: {  	[tilespmem:v8+s3+$0x0] =	vst.idx.add.f32.msk $0xffff, v2  }
0x79: {  	[tilespmem:v8+s4+$0x0] =	vst.idx.add.f32.msk $0xffff, v0  }
0x7a: {  	v2 =	vld.idx.msk [tilespmem:v7+s2+$0x0], $0xffff  }
0x7b: {  	v7 =	vld.idx.msk [tilespmem:v9+s2+$0x0], $0xffff  }
0x7c: {  	v8 =	vld.idx.msk [tilespmem:v10+s2+$0x0], $0xffff  }
0x7d: {  	v9 =	vld [tilespmem:s6+$0x10]  }
0x7e: {  	v10 =	vld [tilespmem:s6+$0x20]  }
0x7f: {  	v11 =	vld [tilespmem:s6+$0x30]  }
0x80: {  	v12 =	vld [tilespmem:s6+$0x40]  }
0x81: {  	v13 =	vld [tilespmem:s6+$0x50]  }
0x82: {  	v14 =	vld [tilespmem:s6+$0x60]  }
0x83: {  	v15 =	vld [tilespmem:s6+$0x0]  }
0x84: {  	[tilespmem:v1+s4+$0x0] =	vst.idx.add.f32.msk $0xffff, v0  }
0x85: {  	[tilespmem:v9+s3+$0x0] =	vst.idx.add.f32.msk $0xffff, v4  }
0x86: {  	[tilespmem:v9+s4+$0x0] =	vst.idx.add.f32.msk $0xffff, v0  }
0x87: {  	[tilespmem:v10+s3+$0x0] =	vst.idx.add.f32.msk $0xffff, v5;
	v1 =	vmov v14  }
0x88: {  	[tilespmem:v10+s4+$0x0] =	vst.idx.add.f32.msk $0xffff, v0  }
0x89: {  	[tilespmem:v11+s3+$0x0] =	vst.idx.add.f32.msk $0xffff, v6  }
0x8a: {  	[tilespmem:v11+s4+$0x0] =	vst.idx.add.f32.msk $0xffff, v0  }
0x8b: {  	[tilespmem:v15+s3+$0x0] =	vst.idx.add.f32.msk $0xffff, v3  }
0x8c: {  	[tilespmem:v15+s4+$0x0] =	vst.idx.add.f32.msk $0xffff, v0  }
.Ltmp3:
0x8d: {  	[tilespmem:v12+s3+$0x0] =	vst.idx.add.f32.msk $0xffff, v2;
	(pc) =	sbr.rel @p0 .LBB2_4-.Ltmp3, $4  }
0x8e: {  	[tilespmem:v12+s4+$0x0] =	vst.idx.add.f32.msk $0xffff, v0  }
0x8f: {  	[tilespmem:v13+s3+$0x0] =	vst.idx.add.f32.msk $0xffff, v7  }
0x90: {  	[tilespmem:v13+s4+$0x0] =	vst.idx.add.f32.msk $0xffff, v0  }
0x91: {  	s6 =	sadd.s32 $0x100, s6;
	[tilespmem:v14+s3+$0x0] =	vst.idx.add.f32.msk $0xffff, v8  }
.LBB2_5:
0x92: {  	_ =	sdelay $0x3  }
0x93: {  	[tilespmem:v1+s4+$0x0] =	vst.idx.add.f32.msk $0xffff, v0  }
0x94: {  	[smem:$0x7F6] =	sst s13  }
0x95: {  	s2 =	simm.s32 $0x80;
	[smem:$0x7F7] =	sst s12  }
0x96: {  	s3 =	simm.s32 $0x400;
	s7 =	simm.s32 $0xC500;
	[dreg:$0x4] =	wrdreg s10  }
0x97: {  	[hbm4b:s11+s2] =	stream.strided.scatter [tilespmem:s7], [sflag:$0x1], $0x2800, s3, s2, $0x38;
	[tilespmem:$0x16C00] =	vst v63  }
0x98: {  	s9 =	simm.s32 $0xED00;
	[smem:$0x7F8] =	sst s11;
	s10 =	simm.s32 $0x2  }
0x99: {  	[hbm4b:s0+s2] =	stream.strided.scatter [tilespmem:s9], [sflag:$0x2], $0x2800, s3, s2, $0x38;
	[tilespmem:$0x16C00] =	vst v63  }
0x9a: {  	_ =	swait.ge [sflag:s10], $0x2800  }
0x9b: {  	[sflag:s10] =	ssyncset.done $0x0  }
0x9c: {  	s20 =	simm.s32 $0x1;
	[sflag:s10] =	ssyncadd.s32 $0xFFFFD800  }
0x9d: {  	_ =	swait.ge [sflag:s20], $0x2800  }
0x9e: {  	[sflag:s20] =	ssyncset.done $0x0  }
0x9f: {  	s11 =	simm.s32 $0x1400;
	[sflag:s20] =	ssyncadd.s32 $0xFFFFD800  }
0xa0: {  	s12 =	simm.s32 $0x14000;
	s13 =	simm.s32 $0x11A00;
	[bflag:$0x0] =	sbarrier.arrive $0xFFFF  }
0xa1: {  	[tilespmem:s13], [sflag:$0x1] =	stream.strided.gather [hbm4b:s8+s11], $0x2800, s12, s11, $0x38;
	[tilespmem:$0x16C00] =	vst v63  }
0xa2: {  	s14 =	simm.s32 $0x14200;
	s23 =	simm.s32 $0x0;
	[smem:$0x7F9] =	sst s8  }
0xa3: {  	[tilespmem:s14], [sflag:$0x2] =	stream.strided.gather [hbm4b:s1+s11], $0x2800, s12, s11, $0x38;
	[tilespmem:$0x16C00] =	vst v63  }
0xa4: {  	s16 =	sand.u32 $0x3, s23;
	_ =	swait.ge [sflag:s10], $0x2800  }
0xa5: {  	s0 =	sshll.u32 s16, $0x5;
	[sflag:s10] =	ssyncset.done $0x0  }
0xa6: {  	s15 =	simm.s32 $0x117A0;
	s0 =	sadd.s32 $0x20, s0;
	[sflag:s10] =	ssyncadd.s32 $0xFFFFD800  }
0xa7: {  	s17 =	sor.u32 $0x300, s0;
	_ =	swait.ge [sflag:s20], $0x2800;
	[dreg:$0x5] =	wrdreg s15  }
0xa8: {  	s18 =	sor.u32 $0x280, s0;
	[sflag:s20] =	ssyncset.done $0x0;
	[smem:$0x7E9] =	sst s17  }
0xa9: {  	s21 =	sor.u32 $0x200, s0;
	[smem:$0x7E6] =	sst s18;
	[sflag:s20] =	ssyncadd.s32 $0xFFFFD800  }
0xaa: {  	s19 =	simm.s32 $0x30;
	v0 =	vld [tilespmem:s17+$0x14200];
	[smem:$0x7E3] =	sst s21  }
0xab: {  	s22 =	sand.u32 $0x1C00, s23;
	s13 =	sand.u32 $0x70, s19;
	v1 =	vld [tilespmem:s18+$0x14200]  }
0xac: {  	s8 =	simm.s32 $0x10;
	s9 =	sor.u32 s13, s22;
	v2 =	vld [tilespmem:s21+$0x14200]  }
0xad: {  	s1 =	sand.u32 $0x50, s8;
	v3 =	vld [tilespmem:s9+$0x14200]  }
0xae: {  	s12 =	sand.u32 $0x7, s23;
	s7 =	sor.u32 s1, s22;
	v4 =	vld [tilespmem:s9+$0x14280]  }
0xaf: {  	s14 =	sshll.u32 s12, $0x4;
	v5 =	vld [tilespmem:s7+$0x14200]  }
0xb0: {  	s11 =	simm.s32 $0x20;
	s5 =	sadd.s32 $0x0, s14;
	v6 =	vld [tilespmem:s9+$0x14300]  }
0xb1: {  	s2 =	sand.u32 $0x60, s11;
	s6 =	sadd.s32 $0x30, s5;
	v7 =	vld [tilespmem:s7+$0x14280]  }
0xb2: {  	s15 =	sor.u32 $0x200, s6;
	s18 =	sor.u32 s2, s22;
	v8 =	vld [tilespmem:s9+$0x14380]  }
0xb3: {  	v9 =	vld [tilespmem:s18+$0x14200];
	[smem:$0x7DC] =	sst s15  }
0xb4: {  	s3 =	sand.u32 $0x40, s23;
	s16 =	sor.u32 $0x280, s6;
	v10 =	vld [tilespmem:s18+$0x14280];
	v3 =	vadd.f32 v4, v3  }
0xb5: {  	s10 =	sor.u32 s3, s22;
	v4 =	vld [tilespmem:s15+$0x14200];
	[smem:$0x7DD] =	sst s16  }
0xb6: {  	s6 =	sor.u32 $0x300, s6;
	v11 =	vld [tilespmem:s10+$0x14200];
	v3 =	vadd.f32 v6, v3  }
0xb7: {  	s4 =	sor.u32 s19, s23;
	v6 =	vld [tilespmem:s16+$0x14200];
	[smem:$0x7DE] =	sst s6  }
0xb8: {  	s4 =	sor.u32 $0x380, s4;
	v12 =	vld [tilespmem:s10+$0x14280];
	v3 =	vadd.f32 v8, v3  }
0xb9: {  	s16 =	sadd.s32 $0x1400, s22;
	v8 =	vld [tilespmem:s6+$0x14200];
	[smem:$0x7DF] =	sst s4  }
0xba: {  	s17 =	sor.u32 s13, s16;
	v13 =	vld [tilespmem:s7+$0x14300];
	v3 =	vadd.f32 v4, v3  }
0xbb: {  	s15 =	sadd.s32 $0x1480, s22;
	v4 =	vld [tilespmem:s4+$0x14200];
	[smem:$0x7E0] =	sst s17  }
0xbc: {  	s19 =	sor.u32 s13, s15;
	v14 =	vld [tilespmem:s18+$0x14300];
	v3 =	vadd.f32 v6, v3  }
0xbd: {  	v6 =	vld [tilespmem:s17+$0x14200];
	[smem:$0x7E1] =	sst s19  }
0xbe: {  	v15 =	vld [tilespmem:s10+$0x14300];
	v3 =	vadd.f32 v8, v3  }
0xbf: {  	s28 =	sadd.s32 $0x1500, s22;
	v8 =	vld [tilespmem:s19+$0x14200]  }
0xc0: {  	s30 =	sor.u32 s13, s28;
	v16 =	vld [tilespmem:s7+$0x14380];
	v3 =	vadd.f32 v4, v3  }
0xc1: {  	s29 =	sadd.s32 $0x1580, s22;
	v4 =	vld [tilespmem:s30+$0x14200]  }
0xc2: {  	p0 =	por $0x0, $0x0;
	s17 =	sor.u32 s13, s29;
	v17 =	vld [tilespmem:s18+$0x14380];
	v3 =	vadd.f32 v6, v3  }
0xc3: {  	s26 =	sadd.s32 $0x1600, s22;
	s25 =	sadd.s32 $0x1680, s22;
	s4 =	simm.s32 $0x1;
	v6 =	vld [tilespmem:s17+$0x14200]  }
0xc4: {  	s12 =	sor.u32 s13, s26;
	s14 =	sadd.s32 $0x10, s5;
	s4 =	simm.s32 @!p0 $0x0;
	v18 =	vld [tilespmem:s10+$0x14380];
	v3 =	vadd.f32 v8, v3  }
0xc5: {  	s5 =	sor.u32 $0x200, s14;
	s6 =	sor.u32 s13, s25;
	s4 =	sshll.u32 s4, $0x6;
	v8 =	vld [tilespmem:s12+$0x14200]  }
0xc6: {  	s24 =	sadd.s32 $0x1700, s22;
	s19 =	sadd.s32 $0x0, s4;
	v3 =	vadd.f32 v4, v3;
	v4 =	vld [tilespmem:s6+$0x14200];
	[smem:$0x7E2] =	sst s5  }
0xc7: {  	s4 =	sor.u32 $0x200, s19;
	v19 =	vld [tilespmem:s5+$0x14200];
	s5 =	sor.u32 s13, s24  }
0xc8: {  	s0 =	sadd.s32 $0x1780, s22;
	v3 =	vadd.f32 v6, v3;
	v6 =	vld [tilespmem:s5+$0x14200];
	[smem:$0x7E4] =	sst s4  }
0xc9: {  	s21 =	sor.u32 $0x280, s14;
	v20 =	vld [tilespmem:s4+$0x14200];
	s4 =	sor.u32 s13, s0  }
0xca: {  	s22 =	sor.u32 $0x300, s14;
	v3 =	vadd.f32 v8, v3;
	v8 =	vld [tilespmem:s4+$0x14200];
	[smem:$0x7E5] =	sst s21  }
0xcb: {  	v21 =	vld [tilespmem:s21+$0x14200];
	s21 =	sor.u32 $0x280, s19;
	[smem:$0x7E8] =	sst s22  }
0xcc: {  	[smem:$0x7E7] =	sst s21  }
0xcd: {  	v3 =	vadd.f32 v4, v3;
	v4 =	vld [tilespmem:s21+$0x14200];
	s21 =	sor.u32 $0x300, s19  }
0xce: {  	[smem:$0x7EA] =	sst s21  }
0xcf: {  	s8 =	sor.u32 s8, s23;
	s11 =	sor.u32 s11, s23;
	v22 =	vld [tilespmem:s22+$0x14200]  }
0xd0: {  	s31 =	sor.u32 $0x380, s8;
	v3 =	vadd.f32 v6, v3;
	v6 =	vld [tilespmem:s21+$0x14200];
	s21 =	sor.u32 $0x380, s11;
	s11 =	simm.s32 $0x0  }
0xd1: {  	s14 =	sor.u32 s23, s23;
	v23 =	vld [tilespmem:s31+$0x14200];
	[dreg:$0xc] =	wrdreg s11  }
0xd2: {  	s19 =	sor.u32 $0x380, s14;
	v3 =	vadd.f32 v8, v3;
	v8 =	vadd.f32 v12, v11;
	v11 =	vld [tilespmem:s21+$0x14200]  }
0xd3: {  	v5 =	vadd.f32 v7, v5;
	s23 =	sor.u32 s3, s16;
	v7 =	vld [tilespmem:s19+$0x14200]  }
0xd4: {  	s14 =	sor.u32 s1, s16;
	v12 =	vld [tilespmem:s23+$0x14200];
	v3 =	vmax.f32 v3, $1.000000000e+00;
	v8 =	vadd.f32 v15, v8  }
0xd5: {  	s11 =	sor.u32 s2, s16;
	s16 =	sor.u32 s3, s15;
	(erf) = vrcp.f32 v3;
	v3 =	vadd.f32 v13, v5;
	v5 =	vld [tilespmem:s14+$0x14200]  }
0xd6: {  	v13 =	vld [tilespmem:s11+$0x14200];
	[smem:$0x7EB] =	sst s16;
	v8 =	vadd.f32 v18, v8  }
0xd7: {  	s8 =	sor.u32 s1, s15;
	v9 =	vadd.f32 v10, v9;
	v10 =	vld [tilespmem:s16+$0x14200]  }
0xd8: {  	s22 =	sor.u32 s3, s28;
	s15 =	sor.u32 s2, s15;
	v15 =	vld [tilespmem:s8+$0x14200];
	v8 =	vadd.f32 v20, v8  }
0xd9: {  	v9 =	vadd.f32 v14, v9;
	v14 =	vld [tilespmem:s15+$0x14200];
	[smem:$0x7ED] =	sst s22;
	v3 =	vadd.f32 v16, v3  }
0xda: {  	v4 =	vadd.f32 v4, v8;
	v8 =	vld [tilespmem:s22+$0x14200];
	s22 =	sor.u32 s2, s28  }
0xdb: {  	s16 =	sor.u32 s1, s28;
	v3 =	vadd.f32 v19, v3;
	[smem:$0x7EC] =	sst s22  }
0xdc: {  	v9 =	vadd.f32 v17, v9;
	s28 =	sor.u32 s3, s29;
	v46 =	vld [tilespmem:s16+$0x14200]  }
0xdd: {  	v3 =	vadd.f32 v21, v3;
	v4 =	vadd.f32 v6, v4;
	v47 =	vld [tilespmem:s22+$0x14200];
	[smem:$0x7F0] =	sst s28;
	s22 =	sor.u32 s1, s29  }
0xde: {  	v2 =	vadd.f32 v2, v9;
	v9 =	vld [tilespmem:s28+$0x14200];
	[smem:$0x7EE] =	sst s22;
	s28 =	simm.s32 $0x11520;
	v6 =	vpop (erf)  }
0xdf: {  	s29 =	sor.u32 s2, s29;
	v3 =	vadd.f32 v22, v3;
	v4 =	vadd.f32 v7, v4;
	[tilespmem:s28+$0x10] =	vst v6  }
0xe0: {  	v1 =	vadd.f32 v1, v2;
	v7 =	vld [tilespmem:s22+$0x14200];
	[smem:$0x7EF] =	sst s29  }
0xe1: {  	s22 =	sor.u32 s3, s26;
	v2 =	vadd.f32 v23, v3;
	v4 =	vadd.f32 v12, v4;
	v3 =	vld [tilespmem:s9+$0x11A00]  }
0xe2: {  	v0 =	vadd.f32 v0, v1;
	v12 =	vld [tilespmem:s29+$0x14200];
	[smem:$0x7F2] =	sst s22;
	s29 =	sor.u32 s1, s26;
	s26 =	sor.u32 s2, s26  }
0xe3: {  	v1 =	vadd.f32 v5, v2;
	v2 =	vld [tilespmem:s22+$0x14200];
	[smem:$0x7F1] =	sst s26;
	v4 =	vadd.f32 v10, v4  }
0xe4: {  	v5 =	vld [tilespmem:s29+$0x14200]  }
0xe5: {  	s22 =	sor.u32 s1, s25;
	v1 =	vadd.f32 v15, v1;
	v10 =	vld [tilespmem:s26+$0x14200];
	s26 =	sor.u32 s3, s25;
	s25 =	sor.u32 s2, s25;
	v4 =	vadd.f32 v8, v4  }
0xe6: {  	v8 =	vld [tilespmem:s26+$0x14200];
	[smem:$0x7F3] =	sst s25  }
0xe7: {  	v1 =	vadd.f32 v46, v1;
	v4 =	vadd.f32 v9, v4;
	v9 =	vld [tilespmem:s25+$0x14200];
	s25 =	sor.u32 s3, s24  }
0xe8: {  	v0 =	vadd.f32 v11, v0;
	v11 =	vld [tilespmem:s22+$0x14200];
	[dreg:$0x8] =	wrdreg s25  }
0xe9: {  	v1 =	vadd.f32 v7, v1;
	v7 =	vld [tilespmem:s25+$0x14200];
	s25 =	sor.u32 s1, s24  }
0xea: {  	v0 =	vadd.f32 v13, v0;
	[smem:$0x7F4] =	sst s25  }
0xeb: {  	v2 =	vadd.f32 v2, v4;
	v4 =	vld [tilespmem:s25+$0x14200];
	s25 =	sor.u32 s3, s0  }
0xec: {  	v0 =	vadd.f32 v14, v0;
	[dreg:$0x7] =	wrdreg s25  }
0xed: {  	v1 =	vadd.f32 v5, v1;
	v5 =	vld [tilespmem:s25+$0x14200];
	s25 =	sor.u32 s1, s0  }
0xee: {  	v0 =	vadd.f32 v47, v0;
	[dreg:$0x9] =	wrdreg s25  }
0xef: {  	s24 =	sor.u32 s2, s24;
	v2 =	vadd.f32 v8, v2;
	v8 =	vld [tilespmem:s25+$0x14200]  }
0xf0: {  	v0 =	vadd.f32 v12, v0;
	v1 =	vadd.f32 v11, v1;
	v13 =	vld [tilespmem:s9+$0x11A80];
	[dreg:$0xa] =	wrdreg s24  }
0xf1: {  	s0 =	sor.u32 s2, s0;
	v2 =	vadd.f32 v7, v2;
	v11 =	vld [tilespmem:s24+$0x14200]  }
0xf2: {  	v0 =	vadd.f32 v10, v0;
	v7 =	vld [tilespmem:s9+$0x11B00];
	v1 =	vadd.f32 v4, v1;
	[dreg:$0xd] =	wrdreg s0  }
0xf3: {  	v4 =	vld [tilespmem:s0+$0x14200];
	v2 =	vadd.f32 v5, v2  }
0xf4: {  	v0 =	vadd.f32 v9, v0;
	v14 =	vld [tilespmem:s30+$0x11A00];
	v1 =	vadd.f32 v8, v1  }
0xf5: {  	v15 =	vld [tilespmem:s17+$0x11A00];
	v2 =	vmax.f32 v2, $1.000000000e+00  }
0xf6: {  	s25 =	sld [smem:$0x7DC];
	v48 =	vld [tilespmem:s12+$0x11A00];
	v0 =	vadd.f32 v11, v0;
	(erf) = vrcp.f32 v2;
	v1 =	vmax.f32 v1, $1.000000000e+00  }
0xf7: {  	v49 =	vld [tilespmem:s6+$0x11A00];
	(erf) = vrcp.f32 v1  }
0xf8: {  	s24 =	sld [smem:$0x7DE];
	v50 =	vld [tilespmem:s5+$0x11A00];
	v0 =	vadd.f32 v4, v0  }
0xf9: {  	v8 =	vld [tilespmem:s25+$0x11A00];
	s25 =	sld [smem:$0x7DF]  }
0xfa: {  	v5 =	vld [tilespmem:s9+$0x11B80];
	s9 =	sld [smem:$0x7DD];
	v0 =	vmax.f32 v0, $1.000000000e+00  }
0xfb: {  	v10 =	vld [tilespmem:s24+$0x11A00];
	s24 =	sld [smem:$0x7E1];
	(erf) = vrcp.f32 v0  }
0xfc: {  	v11 =	vld [tilespmem:s25+$0x11A00];
	s25 =	rddreg [dreg:$0x4]  }
0xfd: {  	v9 =	vld [tilespmem:s9+$0x11A00];
	s9 =	sld [smem:$0x7E0];
	s0 =	sadd.s32 $0x0, s25  }
0xfe: {  	v51 =	vld [tilespmem:s4+$0x11A00];
	v3 =	vadd.f32 v13, v3;
	s0 =	sand.u32 $0x7F80, s0  }
0xff: {  	v12 =	vld [tilespmem:s24+$0x11A00];
	s0 =	sadd.s32 $0x9D00, s0;
	v0 =	vpop (erf)  }
0x100: {  	v3 =	vadd.f32 v7, v3;
	v4 =	vld [tilespmem:s9+$0x11A00];
	s6 =	sor.u32 s13, s0;
	v1 =	vpop (erf)  }
0x101: {  	v52 =	vld [tilespmem:s6+$0x0];
	[tilespmem:s28+$0xFFFFFFF0] =	vst v1  }
0x102: {  	v3 =	vadd.f32 v5, v3;
	v53 =	vld [tilespmem:s7+$0x11A00]  }
0x103: {  	v54 =	vld [tilespmem:s7+$0x11A80]  }
0x104: {  	v3 =	vadd.f32 v8, v3;
	v55 =	vld [tilespmem:s7+$0x11B00];
	v2 =	vpop (erf)  }
0x105: {  	v24 =	vld [tilespmem:s7+$0x11B80];
	[tilespmem:s28+$0x0] =	vst v2  }
0x106: {  	v3 =	vadd.f32 v9, v3;
	v25 =	vld [tilespmem:s18+$0x11A00]  }
0x107: {  	v26 =	vld [tilespmem:s18+$0x11A80]  }
0x108: {  	s9 =	simm.s32 $0x11520;
	v3 =	vadd.f32 v10, v3;
	v27 =	vld [tilespmem:s18+$0x11B00]  }
0x109: {  	v28 =	vld [tilespmem:s18+$0x11B80];
	[dreg:$0x6] =	wrdreg s9  }
0x10a: {  	v3 =	vadd.f32 v11, v3;
	v11 =	vld [tilespmem:s31+$0x11A00]  }
0x10b: {  	v36 =	vld [tilespmem:s21+$0x11A00]  }
0x10c: {  	v57 =	vld [tilespmem:s14+$0x11A00]  }
0x10d: {  	v59 =	vld [tilespmem:s15+$0x11A00]  }
0x10e: {  	[tilespmem:s28+$0xFFFFFFE0] =	vst v0;
	v60 =	vld [tilespmem:s16+$0x11A00]  }
0x10f: {  	v13 =	vld [tilespmem:s10+$0x11A00]  }
0x110: {  	v29 =	vld [tilespmem:s10+$0x11A80]  }
0x111: {  	v7 =	vld [tilespmem:s10+$0x11B00]  }
0x112: {  	v30 =	vld [tilespmem:s10+$0x11B80];
	s12 =	sld [smem:$0x7E2]  }
0x113: {  	s13 =	sld [smem:$0x7E3];
	v37 =	vld [tilespmem:s19+$0x11A00]  }
0x114: {  	s17 =	sld [smem:$0x7E4];
	v58 =	vld [tilespmem:s23+$0x11A00]  }
0x115: {  	s18 =	sld [smem:$0x7E5];
	v31 =	vld [tilespmem:s12+$0x11A00]  }
0x116: {  	s24 =	sld [smem:$0x7E6];
	v5 =	vld [tilespmem:s13+$0x11A00]  }
0x117: {  	v3 =	vadd.f32 v4, v3;
	s25 =	sld [smem:$0x7E7];
	v32 =	vld [tilespmem:s17+$0x11A00]  }
0x118: {  	s5 =	sld [smem:$0x7E8];
	v4 =	vadd.f32 v54, v53;
	v8 =	vld [tilespmem:s18+$0x11A00]  }
0x119: {  	v3 =	vadd.f32 v12, v3;
	v33 =	vld [tilespmem:s24+$0x11A00];
	v56 =	vadd.f32 v26, v25  }
0x11a: {  	s6 =	sld [smem:$0x7E9];
	v4 =	vadd.f32 v55, v4;
	v9 =	vld [tilespmem:s25+$0x11A00];
	v12 =	vadd.f32 v29, v13  }
0x11b: {  	v3 =	vadd.f32 v14, v3;
	s7 =	sld [smem:$0x7EA];
	v34 =	vld [tilespmem:s5+$0x11A00];
	s13 =	simm.s32 $0x2;
	v21 =	vadd.f32 v27, v56  }
0x11c: {  	v4 =	vadd.f32 v24, v4;
	v7 =	vadd.f32 v7, v12;
	v12 =	vld [tilespmem:s8+$0x11A00];
	s8 =	sand.u32 $0x3, s13  }
0x11d: {  	s9 =	sld [smem:$0x7EB];
	v3 =	vadd.f32 v15, v3;
	v10 =	vld [tilespmem:s6+$0x11A00];
	v14 =	vadd.f32 v28, v21;
	s4 =	sshll.u32 s8, $0x5  }
0x11e: {  	s14 =	sld [smem:$0x7ED];
	v35 =	vld [tilespmem:s7+$0x11A00];
	v4 =	vadd.f32 v31, v4;
	v7 =	vadd.f32 v30, v7;
	s4 =	sadd.s32 $0x220, s4  }
0x11f: {  	v15 =	vadd.f32 v48, v3;
	s12 =	sld [smem:$0x7EC];
	v13 =	vld [tilespmem:s11+$0x11A00];
	v5 =	vadd.f32 v5, v14;
	s10 =	sor.u32 $0x300, s4  }
0x120: {  	v14 =	vld [tilespmem:s9+$0x11A00];
	v8 =	vadd.f32 v8, v4;
	s11 =	sor.u32 $0x280, s4;
	v7 =	vadd.f32 v32, v7;
	[dreg:$0xf] =	wrdreg s10  }
0x121: {  	v15 =	vadd.f32 v49, v15;
	s4 =	sor.u32 $0x200, s4;
	v5 =	vadd.f32 v33, v5;
	v3 =	vld [tilespmem:s10+$0x14200];
	[dreg:$0x10] =	wrdreg s11  }
0x122: {  	v8 =	vadd.f32 v34, v8;
	v7 =	vadd.f32 v9, v7;
	v4 =	vld [tilespmem:s11+$0x14200];
	[dreg:$0x11] =	wrdreg s4  }
0x123: {  	s15 =	sld [smem:$0x7EE];
	v9 =	vadd.f32 v10, v5;
	v10 =	vadd.f32 v50, v15;
	v5 =	vld [tilespmem:s4+$0x14200]  }
0x124: {  	s16 =	sld [smem:$0x7EF];
	v15 =	vld [tilespmem:s12+$0x11A00];
	v8 =	vadd.f32 v11, v8;
	v7 =	vadd.f32 v35, v7  }
0x125: {  	s17 =	sld [smem:$0x7F0];
	v11 =	vld [tilespmem:s14+$0x11A00];
	v9 =	vadd.f32 v36, v9;
	v10 =	vadd.f32 v51, v10  }
0x126: {  	v61 =	vld [tilespmem:s15+$0x11A00]  }
0x127: {  	s3 =	sor.u32 s3, s0;
	s18 =	sld [smem:$0x7F1];
	v7 =	vadd.f32 v37, v7;
	v9 =	vadd.f32 v13, v9;
	v13 =	vld [tilespmem:s16+$0x11A00];
	v6 =	vmul.f32 v10, v6  }
0x128: {  	p0 =	por !p0, !p0;
	s1 =	sor.u32 s1, s0;
	v8 =	vadd.f32 v57, v8;
	v10 =	vld [tilespmem:s17+$0x11A00];
	[dreg:$0xb] =	wrdreg s3  }
0x129: {  	s20 =	simm.s32 @!p0 $0x0;
	s0 =	sor.u32 s2, s0;
	[dreg:$0x13] =	wrdreg s1;
	v7 =	vadd.f32 v58, v7;
	v62 =	vadd.f32 v6, v52  }
0x12a: {  	s21 =	sshll.u32 s20, $0x6;
	[dreg:$0x12] =	wrdreg s0;
	v8 =	vadd.f32 v12, v8;
	v9 =	vadd.f32 v59, v9  }
0x12b: {  	s19 =	sld [smem:$0x7F2];
	s23 =	simm.s32 $0x117A0;
	s25 =	simm.s32 $0x40;
	v12 =	vld [tilespmem:s29+$0x11A00];
	v7 =	vadd.f32 v14, v7;
	v63 =	vmul.f32 $5.000000000e-01, v62  }
0x12c: {  	s6 =	simm.s32 $0x220;
	s5 =	simm.s32 $0x50;
	s8 =	simm.s32 $0x70;
	v8 =	vadd.f32 v60, v8;
	v14 =	vld [tilespmem:s18+$0x11A00];
	v9 =	vadd.f32 v15, v9  }
0x12d: {  	s30 =	sand.u32 $0x40, s25;
	s10 =	sand.u32 $0x70, s8;
	v11 =	vadd.f32 v11, v7;
	v7 =	vld [tilespmem:s22+$0x11A00];
	s22 =	sld [smem:$0x7F3];
	[tilespmem:s23+$0x10] =	vst v63  }
0x12e: {  	s11 =	sadd.s32 $0x200, s21;
	s4 =	simm.s32 $0x200;
	v15 =	vadd.f32 v61, v8;
	v13 =	vadd.f32 v13, v9;
	v9 =	vld [tilespmem:s26+$0x11A00];
	s26 =	sld [smem:$0x7F4]  }
0x12f: {  	s15 =	simm.s32 $0x80;
	s24 =	sand.u32 $0x1C00, s4;
	s3 =	simm.s32 $0x60;
	v6 =	vld [tilespmem:s19+$0x11A00]  }
0x130: {  	s17 =	sand.u32 $0x50, s5;
	s31 =	sand.u32 $0x60, s3;
	s29 =	simm.s32 $0x117A0;
	v12 =	vadd.f32 v12, v15;
	v8 =	vld [tilespmem:s22+$0x11A00]  }
0x131: {  	s28 =	sor.u32 s17, s24;
	s23 =	sor.u32 s10, s24;
	v11 =	vadd.f32 v10, v11;
	v13 =	vadd.f32 v14, v13;
	v10 =	vld [tilespmem:s26+$0x11A00];
	[dreg:$0xe] =	wrdreg s29  }
.LBB2_6:
0x132: {  	[smem:$0x7D2] =	sst s25  }
0x133: {  	[dreg:$0x19] =	wrdreg s4  }
0x134: {  	[dreg:$0x15] =	wrdreg s13  }
0x135: {  	[dreg:$0x14] =	wrdreg s6;
	s20 =	sor.u32 s30, s24;
	s16 =	sor.u32 s31, s24;
	v14 =	vld [tilespmem:s23+$0x14200]  }
0x136: {  	s6 =	sor.u32 $0x200, s11;
	s0 =	sor.u32 $0x280, s11;
	s2 =	rddreg [dreg:$0xc];
	v15 =	vld [tilespmem:s16+$0x14200]  }
0x137: {  	s22 =	sor.u32 $0x300, s11;
	s5 =	sor.u32 s5, s4;
	s2 =	sadd.s32 $0x4, s2;
	v6 =	vadd.f32 v6, v11;
	v11 =	vld [tilespmem:s23+$0x14280]  }
0x138: {  	s9 =	sor.u32 s4, s25;
	[dreg:$0xc] =	wrdreg s2;
	s2 =	sand.u32 $0x7, s2;
	v7 =	vadd.f32 v7, v12;
	v12 =	vld [tilespmem:s28+$0x14200]  }
0x139: {  	s3 =	sor.u32 s3, s4;
	s8 =	sor.u32 s8, s4;
	s2 =	sshll.u32 s2, $0x4;
	v8 =	vadd.f32 v8, v13;
	v13 =	vld [tilespmem:s23+$0x14300]  }
0x13a: {  	s13 =	sadd.s32 $0x1400, s24;
	[dreg:$0x18] =	wrdreg s0;
	s2 =	sadd.s32 s2, s4;
	v6 =	vadd.f32 v9, v6;
	v9 =	vld [tilespmem:s28+$0x14280]  }
0x13b: {  	s21 =	sadd.s32 $0x1480, s24;
	[dreg:$0x16] =	wrdreg s22;
	s29 =	sadd.s32 $0x30, s2;
	v7 =	vadd.f32 v10, v7;
	v10 =	vld [tilespmem:s23+$0x14380]  }
0x13c: {  	s25 =	sor.u32 $0x380, s3;
	v16 =	vld [tilespmem:s16+$0x14280];
	s26 =	sadd.s32 $0x10, s2;
	s2 =	sor.u32 $0x200, s29;
	v11 =	vadd.f32 v11, v14  }
0x13d: {  	s12 =	sor.u32 $0x380, s5;
	s11 =	sor.u32 $0x380, s8;
	[dreg:$0x17] =	wrdreg s25;
	v14 =	vld [tilespmem:s2+$0x14200]  }
0x13e: {  	v17 =	vld [tilespmem:s20+$0x14280];
	s8 =	smov.u32 s28;
	[smem:$0x7C7] =	sst s11;
	s3 =	sor.u32 $0x280, s29;
	v11 =	vadd.f32 v13, v11  }
0x13f: {  	s14 =	sor.u32 s10, s13;
	s18 =	sor.u32 s31, s13;
	[dreg:$0x1a] =	wrdreg s8;
	v9 =	vadd.f32 v9, v12;
	v12 =	vld [tilespmem:s3+$0x14200]  }
0x140: {  	[smem:$0x7C8] =	sst s14;
	v54 =	vld [tilespmem:s8+$0x14380];
	s19 =	sor.u32 $0x200, s26;
	s7 =	sor.u32 $0x300, s29;
	v10 =	vadd.f32 v10, v11  }
0x141: {  	s0 =	smov.u32 s17;
	s5 =	sadd.s32 $0x1580, s24;
	[dreg:$0x1b] =	wrdreg s19;
	v11 =	vld [tilespmem:s7+$0x14200]  }
0x142: {  	s25 =	sor.u32 s30, s13;
	s8 =	sadd.s32 $0x1680, s24;
	[smem:$0x7C2] =	sst s2;
	v13 =	vld [tilespmem:s20+$0x14200];
	v10 =	vadd.f32 v14, v10  }
0x143: {  	s1 =	sor.u32 $0x280, s26;
	s22 =	sor.u32 $0x300, s26;
	[smem:$0x7C4] =	sst s3;
	v14 =	vadd.f32 v16, v15;
	v15 =	vld [tilespmem:s11+$0x14200]  }
0x144: {  	v52 =	vld [tilespmem:s28+$0x14300];
	s26 =	sor.u32 s10, s21;
	s29 =	sadd.s32 $0x1500, s24;
	[smem:$0x7C5] =	sst s7;
	v10 =	vadd.f32 v12, v10  }
0x145: {  	s28 =	sor.u32 s17, s21;
	[smem:$0x7CA] =	sst s26;
	s7 =	sor.u32 s10, s29;
	v12 =	vld [tilespmem:s14+$0x14200]  }
0x146: {  	v18 =	vld [tilespmem:s16+$0x14300];
	s4 =	sor.u32 s0, s29;
	s2 =	sor.u32 s31, s21;
	[smem:$0x7CC] =	sst s7;
	v10 =	vadd.f32 v11, v10  }
0x147: {  	s11 =	sor.u32 s17, s13;
	s17 =	sor.u32 s30, s29;
	s13 =	sadd.s32 $0x1600, s24;
	v11 =	vadd.f32 v17, v13;
	v13 =	vld [tilespmem:s26+$0x14200]  }
0x148: {  	s3 =	sor.u32 s31, s13;
	s14 =	sor.u32 s30, s21;
	s26 =	sor.u32 s0, s5;
	v10 =	vadd.f32 v15, v10  }
0x149: {  	s21 =	sor.u32 s31, s29;
	[smem:$0x7C0] =	sst s26;
	v15 =	vld [tilespmem:s7+$0x14200];
	s7 =	sor.u32 s10, s5  }
0x14a: {  	v53 =	vld [tilespmem:s20+$0x14300];
	s29 =	sor.u32 s30, s5;
	s5 =	sor.u32 s31, s5;
	[smem:$0x7CD] =	sst s7;
	v10 =	vadd.f32 v12, v10  }
0x14b: {  	s26 =	sor.u32 s30, s13;
	[smem:$0x7C1] =	sst s5;
	v12 =	vadd.f32 v18, v14;
	v14 =	vld [tilespmem:s7+$0x14200];
	s7 =	sor.u32 s10, s13  }
0x14c: {  	v55 =	vld [tilespmem:s16+$0x14380];
	s5 =	sor.u32 s0, s13;
	s13 =	sor.u32 s0, s8;
	[smem:$0x7CF] =	sst s7;
	v10 =	vadd.f32 v13, v10  }
0x14d: {  	[smem:$0x7C6] =	sst s13;
	s13 =	sadd.s32 $0x1700, s24;
	v13 =	vld [tilespmem:s7+$0x14200];
	s7 =	sor.u32 s10, s8  }
0x14e: {  	v57 =	vld [tilespmem:s19+$0x14200];
	s19 =	sor.u32 s0, s13;
	[smem:$0x7D0] =	sst s7;
	v10 =	vadd.f32 v15, v10  }
0x14f: {  	[smem:$0x7CB] =	sst s19;
	v15 =	vld [tilespmem:s7+$0x14200];
	s7 =	sor.u32 s30, s13  }
0x150: {  	v56 =	vld [tilespmem:s20+$0x14380];
	s19 =	sadd.s32 $0x1780, s24;
	[smem:$0x7C9] =	sst s7;
	s7 =	sor.u32 s10, s13;
	v10 =	vadd.f32 v14, v10  }
0x151: {  	v12 =	vadd.f32 v55, v12;
	s24 =	sor.u32 s30, s19;
	v14 =	vld [tilespmem:s7+$0x14200]  }
0x152: {  	v58 =	vld [tilespmem:s6+$0x14200];
	v9 =	vadd.f32 v52, v9;
	[smem:$0x7CE] =	sst s24;
	s24 =	sor.u32 s10, s19;
	v10 =	vadd.f32 v13, v10  }
0x153: {  	v5 =	vadd.f32 v5, v12;
	v12 =	vld [tilespmem:s24+$0x14200]  }
0x154: {  	[dreg:$0x1f] =	wrdreg s6;
	v9 =	vadd.f32 v54, v9;
	v13 =	vld [tilespmem:s1+$0x14200];
	v10 =	vadd.f32 v15, v10  }
0x155: {  	s6 =	rddreg [dreg:$0x18];
	v11 =	vadd.f32 v53, v11;
	v4 =	vadd.f32 v4, v5;
	v5 =	vld [tilespmem:s22+$0x14200]  }
0x156: {  	[smem:$0x7D4] =	sst s22;
	v9 =	vadd.f32 v57, v9;
	v15 =	vld [tilespmem:s6+$0x14200];
	v10 =	vadd.f32 v14, v10  }
0x157: {  	v11 =	vadd.f32 v56, v11;
	s22 =	rddreg [dreg:$0x16];
	v3 =	vadd.f32 v3, v4;
	v4 =	vld [tilespmem:s12+$0x14200]  }
0x158: {  	s9 =	sor.u32 $0x380, s9;
	v14 =	vld [tilespmem:s22+$0x14200];
	v10 =	vadd.f32 v12, v10  }
0x159: {  	v11 =	vadd.f32 v58, v11;
	s22 =	rddreg [dreg:$0x17];
	v9 =	vadd.f32 v13, v9;
	v13 =	vld [tilespmem:s9+$0x14200]  }
0x15a: {  	v12 =	vld [tilespmem:s22+$0x14200];
	v10 =	vmax.f32 v10, $1.000000000e+00  }
0x15b: {  	v11 =	vadd.f32 v15, v11;
	v15 =	vld [tilespmem:s25+$0x14200];
	v5 =	vadd.f32 v5, v9;
	(erf) = vrcp.f32 v10  }
0x15c: {  	v10 =	vld [tilespmem:s11+$0x14200]  }
0x15d: {  	v9 =	vadd.f32 v14, v11;
	v4 =	vadd.f32 v4, v5;
	v5 =	vld [tilespmem:s18+$0x14200]  }
0x15e: {  	v11 =	vld [tilespmem:s14+$0x14200]  }
0x15f: {  	[smem:$0x7D5] =	sst s12;
	v14 =	vld [tilespmem:s17+$0x14200];
	v9 =	vadd.f32 v13, v9  }
0x160: {  	[dreg:$0x1c] =	wrdreg s25;
	v3 =	vadd.f32 v12, v3;
	v12 =	vld [tilespmem:s28+$0x14200]  }
0x161: {  	[dreg:$0x1d] =	wrdreg s14;
	v13 =	vld [tilespmem:s2+$0x14200];
	v9 =	vadd.f32 v15, v9  }
0x162: {  	s14 =	sld [smem:$0x7C0];
	v4 =	vadd.f32 v10, v4;
	v10 =	vld [tilespmem:s4+$0x14200]  }
0x163: {  	s25 =	rddreg [dreg:$0x6];
	v9 =	vadd.f32 v11, v9;
	v11 =	vld [tilespmem:s21+$0x14200]  }
0x164: {  	[dreg:$0x1e] =	wrdreg s17;
	s12 =	sadd.s32 $0x40, s25;
	v15 =	vld [tilespmem:s29+$0x14200];
	v5 =	vadd.f32 v5, v3;
	v3 =	vpop (erf)  }
0x165: {  	s17 =	sld [smem:$0x7C1];
	v4 =	vadd.f32 v12, v4;
	v12 =	vld [tilespmem:s14+$0x14200];
	[tilespmem:s12+$0x10] =	vst v3  }
0x166: {  	[smem:$0x7D6] =	sst s9;
	v5 =	vadd.f32 v13, v5;
	v13 =	vld [tilespmem:s23+$0x11A00]  }
0x167: {  	[smem:$0x7D8] =	sst s18;
	v4 =	vadd.f32 v10, v4;
	v10 =	vld [tilespmem:s23+$0x11A80]  }
0x168: {  	[smem:$0x7D9] =	sst s2;
	v5 =	vadd.f32 v11, v5;
	v11 =	vld [tilespmem:s17+$0x14200]  }
0x169: {  	[smem:$0x7DB] =	sst s29;
	v9 =	vadd.f32 v14, v9;
	v14 =	vld [tilespmem:s23+$0x11B00]  }
0x16a: {  	v59 =	vld [tilespmem:s5+$0x14200];
	s29 =	sld [smem:$0x7C2]  }
0x16b: {  	[smem:$0x7C3] =	sst s3;
	v4 =	vadd.f32 v12, v4;
	v12 =	vld [tilespmem:s23+$0x11B80]  }
0x16c: {  	s2 =	sld [smem:$0x7C4];
	v9 =	vadd.f32 v15, v9;
	v15 =	vld [tilespmem:s26+$0x14200];
	v10 =	vadd.f32 v10, v13  }
0x16d: {  	s18 =	smov.u32 s5;
	s5 =	sld [smem:$0x7C3];
	v5 =	vadd.f32 v11, v5;
	v11 =	vld [tilespmem:s29+$0x11A00]  }
0x16e: {  	s9 =	sld [smem:$0x7C5];
	v10 =	vadd.f32 v14, v10  }
0x16f: {  	[smem:$0x7D7] =	sst s11;
	v14 =	vld [tilespmem:s2+$0x11A00]  }
0x170: {  	s11 =	sld [smem:$0x7C7];
	v13 =	vld [tilespmem:s5+$0x14200];
	v10 =	vadd.f32 v12, v10  }
0x171: {  	s3 =	sor.u32 s30, s8;
	v12 =	vld [tilespmem:s9+$0x11A00]  }
0x172: {  	s22 =	sld [smem:$0x7C8];
	v9 =	vadd.f32 v15, v9;
	v15 =	vld [tilespmem:s3+$0x14200];
	v10 =	vadd.f32 v11, v10  }
0x173: {  	[smem:$0x7D3] =	sst s1;
	v11 =	vld [tilespmem:s11+$0x11A00]  }
0x174: {  	s25 =	sld [smem:$0x7CA];
	v10 =	vadd.f32 v14, v10  }
0x175: {  	s8 =	sor.u32 s31, s8;
	s9 =	sld [smem:$0x7C9];
	v14 =	vld [tilespmem:s22+$0x11A00]  }
0x176: {  	s2 =	sld [smem:$0x7CC];
	v5 =	vadd.f32 v13, v5;
	v13 =	vld [tilespmem:s8+$0x14200];
	v10 =	vadd.f32 v12, v10  }
0x177: {  	s23 =	sld [smem:$0x7C6];
	v12 =	vld [tilespmem:s25+$0x11A00]  }
0x178: {  	s29 =	smov.u32 s3;
	s3 =	sld [smem:$0x7CD];
	v9 =	vadd.f32 v15, v9;
	v15 =	vld [tilespmem:s9+$0x14200];
	v10 =	vadd.f32 v11, v10  }
0x179: {  	[smem:$0x7D1] =	sst s7;
	v11 =	vld [tilespmem:s2+$0x11A00]  }
0x17a: {  	v60 =	vld [tilespmem:s23+$0x14200];
	s11 =	smov.u32 s8;
	s8 =	sld [smem:$0x7CF];
	v10 =	vadd.f32 v14, v10  }
0x17b: {  	s13 =	sor.u32 s31, s13;
	v14 =	vld [tilespmem:s3+$0x11A00];
	s3 =	sld [smem:$0x7CE]  }
0x17c: {  	s22 =	sld [smem:$0x7CB];
	v5 =	vadd.f32 v13, v5;
	v13 =	vld [tilespmem:s13+$0x14200];
	v10 =	vadd.f32 v12, v10  }
0x17d: {  	s1 =	rddreg [dreg:$0x4];
	v12 =	vld [tilespmem:s8+$0x11A00]  }
0x17e: {  	s6 =	rddreg [dreg:$0x14];
	v9 =	vadd.f32 v15, v9;
	v15 =	vld [tilespmem:s3+$0x14200];
	v10 =	vadd.f32 v11, v10  }
0x17f: {  	s7 =	sor.u32 s0, s19;
	s25 =	sld [smem:$0x7D0];
	v61 =	vld [tilespmem:s22+$0x14200]  }
0x180: {  	s19 =	sor.u32 s31, s19;
	v62 =	vld [tilespmem:s7+$0x14200];
	v4 =	vadd.f32 v59, v4;
	s2 =	sld [smem:$0x7D1];
	v10 =	vadd.f32 v14, v10  }
0x181: {  	v5 =	vadd.f32 v13, v5;
	v13 =	vld [tilespmem:s19+$0x14200];
	s8 =	rddreg [dreg:$0xa]  }
0x182: {  	v4 =	vadd.f32 v60, v4;
	v10 =	vadd.f32 v12, v10;
	v12 =	vld [tilespmem:s8+$0x11A00];
	s8 =	sld [smem:$0x7D2]  }
0x183: {  	v11 =	vld [tilespmem:s25+$0x11A00];
	s25 =	smov.u32 s13;
	s13 =	rddreg [dreg:$0x15];
	v9 =	vadd.f32 v15, v9  }
0x184: {  	v4 =	vadd.f32 v61, v4;
	v15 =	vld [tilespmem:s24+$0x11A00];
	s24 =	rddreg [dreg:$0x8]  }
0x185: {  	v14 =	vld [tilespmem:s2+$0x11A00];
	v9 =	vmax.f32 v9, $1.000000000e+00;
	s2 =	sadd.s32 s8, s1;
	s1 =	smov.u32 s9;
	s9 =	rddreg [dreg:$0x9]  }
0x186: {  	v4 =	vadd.f32 v62, v4;
	(erf) = vrcp.f32 v9;
	v9 =	vld [tilespmem:s24+$0x11A00];
	s24 =	smov.u32 s7;
	s7 =	rddreg [dreg:$0xd]  }
0x187: {  	v5 =	vadd.f32 v13, v5;
	[dreg:$0x8] =	wrdreg s1  }
0x188: {  	v4 =	vmax.f32 v4, $1.000000000e+00;
	v10 =	vadd.f32 v11, v10;
	v11 =	vld [tilespmem:s9+$0x11A00];
	[dreg:$0x9] =	wrdreg s24  }
0x189: {  	v5 =	vmax.f32 v5, $1.000000000e+00;
	s2 =	sand.u32 $0x7F80, s2;
	(erf) = vrcp.f32 v4;
	v4 =	vld [tilespmem:s7+$0x11A00];
	s24 =	rddreg [dreg:$0x7]  }
0x18a: {  	s13 =	sadd.s32 $0x2, s13;
	s2 =	sadd.s32 $0x9D00, s2;
	(erf) = vrcp.f32 v5;
	v5 =	vld [tilespmem:s24+$0x11A00];
	s24 =	rddreg [dreg:$0xb]  }
0x18b: {  	v10 =	vadd.f32 v14, v10;
	s1 =	sor.u32 s0, s2;
	s0 =	sor.u32 s10, s2;
	s10 =	smov.u32 s19  }
0x18c: {  	s6 =	sadd.s32 $0x200, s6;
	s19 =	sand.u32 $0x3, s13;
	v13 =	vld [tilespmem:s0+$0x0];
	[dreg:$0xd] =	wrdreg s10  }
0x18d: {  	v8 =	vadd.f32 v12, v8;
	v10 =	vadd.f32 v15, v10;
	v12 =	vld [tilespmem:s24+$0x0];
	s0 =	smov.u32 s3;
	s9 =	sshll.u32 s19, $0x5;
	s3 =	rddreg [dreg:$0x13]  }
0x18e: {  	s8 =	sor.u32 s30, s2;
	s10 =	rddreg [dreg:$0x12];
	v6 =	vadd.f32 v9, v6;
	v9 =	vld [tilespmem:s3+$0x0];
	s9 =	sadd.s32 s9, s6  }
0x18f: {  	s2 =	sor.u32 s31, s2;
	s7 =	smov.u32 s1;
	v10 =	vmul.f32 v10, v3;
	v14 =	vadd.f32 v11, v7;
	v11 =	vld [tilespmem:s10+$0x0];
	s1 =	sor.u32 $0x300, s9;
	v8 =	vadd.f32 v4, v8  }
0x190: {  	s19 =	smov.u32 s2;
	s2 =	sor.u32 $0x280, s9;
	v3 =	vld [tilespmem:s1+$0x14200];
	v6 =	vadd.f32 v5, v6  }
0x191: {  	[dreg:$0x7] =	wrdreg s0;
	s0 =	smov.u32 s8;
	s8 =	sor.u32 $0x200, s9;
	v4 =	vld [tilespmem:s2+$0x14200];
	v2 =	vmul.f32 v8, v2;
	v10 =	vadd.f32 v10, v13;
	v13 =	vmul.f32 v14, v1;
	v7 =	vpop (erf)  }
0x192: {  	[dreg:$0x13] =	wrdreg s7;
	v5 =	vld [tilespmem:s8+$0x14200];
	[tilespmem:s12+$0xFFFFFFE0] =	vst v7  }
0x193: {  	s3 =	rddreg [dreg:$0x5];
	v6 =	vmul.f32 v6, v0;
	v1 =	vpop (erf);
	v8 =	vmul.f32 $5.000000000e-01, v10;
	v9 =	vadd.f32 v13, v9;
	v10 =	vld [tilespmem:s20+$0x11A00]  }
0x194: {  	s7 =	rddreg [dreg:$0x1a];
	s9 =	sadd.s32 $0x40, s3;
	v0 =	vmov v7;
	v11 =	vadd.f32 v2, v11;
	v7 =	vld [tilespmem:s20+$0x11A80];
	[tilespmem:s12+$0xFFFFFFF0] =	vst v1  }
0x195: {  	[dreg:$0x6] =	wrdreg s12;
	v6 =	vadd.f32 v6, v12;
	v2 =	vpop (erf);
	v12 =	vld [tilespmem:s7+$0x11A00];
	[tilespmem:s9+$0x10] =	vst v8;
	v8 =	vmul.f32 $5.000000000e-01, v9  }
0x196: {  	v13 =	vld [tilespmem:s7+$0x11A80];
	v11 =	vmul.f32 $5.000000000e-01, v11;
	[tilespmem:s12+$0x0] =	vst v2;
	s12 =	rddreg [dreg:$0xe]  }
0x197: {  	v9 =	vld [tilespmem:s20+$0x11B00];
	[tilespmem:s12+$0xFFFFFFF0] =	vst v8  }
0x198: {  	[smem:$0x7DA] =	sst s4;
	v6 =	vmul.f32 $5.000000000e-01, v6;
	v8 =	vld [tilespmem:s16+$0x11A00];
	[tilespmem:s12+$0x0] =	vst v11  }
0x199: {  	s24 =	rddreg [dreg:$0x1b];
	v7 =	vadd.f32 v7, v10;
	v10 =	vld [tilespmem:s16+$0x11A80]  }
0x19a: {  	[dreg:$0x12] =	wrdreg s19;
	[tilespmem:s12+$0xFFFFFFE0] =	vst v6;
	v6 =	vld [tilespmem:s7+$0x11B00]  }
0x19b: {  	s3 =	rddreg [dreg:$0x11];
	v14 =	vld [tilespmem:s20+$0x11B80]  }
0x19c: {  	s10 =	rddreg [dreg:$0x10];
	v15 =	vld [tilespmem:s18+$0x11A00]  }
0x19d: {  	[dreg:$0x5] =	wrdreg s9;
	s19 =	smov.u32 s9;
	v11 =	vadd.f32 v13, v12;
	v12 =	vld [tilespmem:s7+$0x11B80]  }
0x19e: {  	[dreg:$0xe] =	wrdreg s19;
	v7 =	vadd.f32 v9, v7;
	v9 =	vld [tilespmem:s16+$0x11B00]  }
0x19f: {  	s9 =	sld [smem:$0x7D3];
	v13 =	vld [tilespmem:s16+$0x11B80]  }
0x1a0: {  	s7 =	smov.u32 s8;
	s8 =	rddreg [dreg:$0x1f];
	v8 =	vadd.f32 v10, v8;
	v10 =	vld [tilespmem:s24+$0x11A00]  }
0x1a1: {  	s16 =	rddreg [dreg:$0x18];
	v6 =	vadd.f32 v6, v11;
	v11 =	vld [tilespmem:s8+$0x11A00]  }
0x1a2: {  	s19 =	sld [smem:$0x7D4];
	v7 =	vadd.f32 v14, v7;
	v14 =	vld [tilespmem:s16+$0x11A00]  }
0x1a3: {  	s12 =	smov.u32 s2;
	s2 =	rddreg [dreg:$0x16];
	v8 =	vadd.f32 v9, v8;
	v9 =	vld [tilespmem:s3+$0x11A00]  }
0x1a4: {  	[dreg:$0x10] =	wrdreg s12;
	v6 =	vadd.f32 v12, v6;
	v12 =	vld [tilespmem:s9+$0x11A00]  }
0x1a5: {  	s20 =	rddreg [dreg:$0xf];
	v8 =	vadd.f32 v13, v8;
	v13 =	vld [tilespmem:s10+$0x11A00]  }
0x1a6: {  	s3 =	sld [smem:$0x7D5];
	v6 =	vadd.f32 v10, v6;
	v10 =	vld [tilespmem:s19+$0x11A00]  }
0x1a7: {  	s8 =	sld [smem:$0x7D6];
	v7 =	vadd.f32 v11, v7;
	v11 =	vld [tilespmem:s2+$0x11A00]  }
0x1a8: {  	[dreg:$0x11] =	wrdreg s7;
	v8 =	vadd.f32 v9, v8;
	v9 =	vld [tilespmem:s20+$0x11A00]  }
0x1a9: {  	s9 =	sld [smem:$0x7D7];
	v6 =	vadd.f32 v12, v6;
	v12 =	vld [tilespmem:s3+$0x11A00]  }
0x1aa: {  	s7 =	rddreg [dreg:$0x17];
	v7 =	vadd.f32 v14, v7;
	v14 =	vld [tilespmem:s8+$0x11A00]  }
0x1ab: {  	s10 =	sld [smem:$0x7D8];
	v8 =	vadd.f32 v13, v8;
	v13 =	vld [tilespmem:s7+$0x11A00]  }
0x1ac: {  	s12 =	rddreg [dreg:$0x1c];
	v6 =	vadd.f32 v10, v6;
	v10 =	vld [tilespmem:s9+$0x11A00]  }
0x1ad: {  	s16 =	sld [smem:$0x7D9];
	v7 =	vadd.f32 v11, v7;
	v11 =	vld [tilespmem:s12+$0x11A00]  }
0x1ae: {  	s19 =	rddreg [dreg:$0x1d];
	v8 =	vadd.f32 v9, v8;
	v9 =	vld [tilespmem:s10+$0x11A00]  }
0x1af: {  	s20 =	sld [smem:$0x7DA];
	v6 =	vadd.f32 v12, v6;
	v12 =	vld [tilespmem:s28+$0x11A00]  }
0x1b0: {  	v7 =	vadd.f32 v14, v7;
	v14 =	vld [tilespmem:s19+$0x11A00]  }
0x1b1: {  	v8 =	vadd.f32 v13, v8;
	v13 =	vld [tilespmem:s16+$0x11A00]  }
0x1b2: {  	s24 =	smov.u32 s1;
	v6 =	vadd.f32 v10, v6;
	v10 =	vld [tilespmem:s20+$0x11A00]  }
0x1b3: {  	[dreg:$0xf] =	wrdreg s24;
	v8 =	vadd.f32 v9, v8;
	v9 =	vld [tilespmem:s21+$0x11A00]  }
0x1b4: {  	s21 =	rddreg [dreg:$0x1e];
	v6 =	vadd.f32 v12, v6;
	v12 =	vld [tilespmem:s14+$0x11A00]  }
0x1b5: {  	s24 =	sld [smem:$0x7DB];
	v7 =	vadd.f32 v11, v7;
	v11 =	vld [tilespmem:s21+$0x11A00]  }
0x1b6: {  	p1 =	slt.u32 s15, $0x240;
	s4 =	rddreg [dreg:$0x19];
	v8 =	vadd.f32 v13, v8;
	v13 =	vld [tilespmem:s17+$0x11A00]  }
0x1b7: {  	p0 =	por !p0, !p0;
	s4 =	sadd.s32 $0x200, s4;
	[dreg:$0xa] =	wrdreg s25;
	v63 =	vld [tilespmem:s5+$0x11A00]  }
0x1b8: {  	s25 =	smov.u32 s15;
	[dreg:$0xb] =	wrdreg s0;
	s0 =	simm.s32 $0x1;
	v7 =	vadd.f32 v14, v7;
	v14 =	vld [tilespmem:s24+$0x11A00];
	v10 =	vadd.f32 v10, v6  }
.Ltmp4:
0x1b9: {  	s30 =	sand.u32 $0x40, s15;
	s0 =	simm.s32 @!p0 $0x0;
	v6 =	vld [tilespmem:s26+$0x11A00];
	v8 =	vadd.f32 v9, v8;
	(pc) =	sbr.rel @p1 .LBB2_6-.Ltmp4, $4  }
0x1ba: {  	s0 =	sshll.u32 s0, $0x6;
	s5 =	sadd.s32 $0x10, s15;
	s3 =	sadd.s32 $0x20, s15;
	v10 =	vadd.f32 v12, v10;
	v9 =	vadd.f32 v11, v7;
	v7 =	vld [tilespmem:s23+$0x11A00]  }
0x1bb: {  	s8 =	sadd.s32 $0x30, s15;
	s15 =	sadd.s32 $0x40, s15;
	s31 =	sand.u32 $0x60, s3;
	v13 =	vadd.f32 v13, v8;
	v8 =	vld [tilespmem:s11+$0x11A00]  }
0x1bc: {  	s10 =	sand.u32 $0x70, s8;
	s24 =	sand.u32 $0x1C00, s4;
	s17 =	sand.u32 $0x50, s5;
	v12 =	vadd.f32 v15, v10;
	v10 =	vld [tilespmem:s22+$0x11A00]  }
0x1bd: {  	s28 =	sor.u32 s17, s24;
	s23 =	sor.u32 s10, s24;
	s11 =	sadd.s32 s0, s4;
	v11 =	vadd.f32 v14, v9;
	v9 =	vld [tilespmem:s29+$0x11A00];
	v13 =	vadd.f32 v63, v13  }
0x1be: {  	v14 =	vld [tilespmem:s23+$0x14200];
	s2 =	rddreg [dreg:$0xc]  }
0x1bf: {  	v15 =	vld [tilespmem:s23+$0x14280];
	s2 =	sadd.s32 $0x4, s2  }
0x1c0: {  	s2 =	sand.u32 $0x7, s2  }
0x1c1: {  	v16 =	vld [tilespmem:s23+$0x14300];
	s2 =	sshll.u32 s2, $0x4  }
0x1c2: {  	s1 =	smov.u32 s17;
	s17 =	sadd.s32 s2, s4  }
0x1c3: {  	v17 =	vld [tilespmem:s23+$0x14380];
	s2 =	sadd.s32 $0x30, s17  }
0x1c4: {  	v14 =	vadd.f32 v15, v14;
	s6 =	sor.u32 $0x200, s2  }
0x1c5: {  	v41 =	vld [tilespmem:s6+$0x14200]  }
0x1c6: {  	s7 =	sor.u32 $0x280, s2;
	v14 =	vadd.f32 v16, v14  }
0x1c7: {  	v42 =	vld [tilespmem:s7+$0x14200]  }
0x1c8: {  	s19 =	sor.u32 $0x300, s2;
	v14 =	vadd.f32 v17, v14  }
0x1c9: {  	s8 =	sor.u32 s8, s4;
	v43 =	vld [tilespmem:s19+$0x14200]  }
0x1ca: {  	s0 =	sor.u32 $0x380, s8;
	v14 =	vadd.f32 v41, v14  }
0x1cb: {  	s21 =	sadd.s32 $0x1400, s24;
	v44 =	vld [tilespmem:s0+$0x14200]  }
0x1cc: {  	s16 =	sadd.s32 $0x1480, s24;
	s26 =	sor.u32 s10, s21;
	v14 =	vadd.f32 v42, v14  }
0x1cd: {  	s22 =	sadd.s32 $0x1500, s24;
	s9 =	sor.u32 s10, s16;
	v45 =	vld [tilespmem:s26+$0x14200]  }
0x1ce: {  	s12 =	sor.u32 s10, s22;
	[smem:$0x7AC] =	sst s9;
	v14 =	vadd.f32 v43, v14  }
0x1cf: {  	v46 =	vld [tilespmem:s9+$0x14200];
	[smem:$0x7AD] =	sst s12  }
0x1d0: {  	v47 =	vld [tilespmem:s12+$0x14200];
	s12 =	sadd.s32 $0x1580, s24;
	v14 =	vadd.f32 v44, v14  }
0x1d1: {  	s13 =	sor.u32 s10, s12  }
0x1d2: {  	s15 =	sadd.s32 $0x1600, s24;
	[smem:$0x7AE] =	sst s13;
	v14 =	vadd.f32 v45, v14  }
0x1d3: {  	s14 =	sor.u32 s10, s15;
	v48 =	vld [tilespmem:s13+$0x14200]  }
0x1d4: {  	[smem:$0x7AF] =	sst s14;
	s13 =	sadd.s32 $0x1680, s24;
	v14 =	vadd.f32 v46, v14  }
0x1d5: {  	v49 =	vld [tilespmem:s14+$0x14200];
	s18 =	sor.u32 s10, s13  }
0x1d6: {  	s2 =	sadd.s32 $0x1700, s24;
	[smem:$0x7B0] =	sst s18;
	v14 =	vadd.f32 v47, v14  }
0x1d7: {  	s20 =	sor.u32 s10, s2;
	v50 =	vld [tilespmem:s18+$0x14200]  }
0x1d8: {  	[smem:$0x7B1] =	sst s20;
	v14 =	vadd.f32 v48, v14  }
0x1d9: {  	s8 =	sadd.s32 $0x1780, s24;
	v51 =	vld [tilespmem:s20+$0x14200]  }
0x1da: {  	s29 =	sor.u32 s10, s8;
	v14 =	vadd.f32 v49, v14  }
0x1db: {  	v52 =	vld [tilespmem:s29+$0x14200]  }
0x1dc: {  	v14 =	vadd.f32 v50, v14;
	_ =	sdelay $0x1  }
0x1dd: {  	v14 =	vadd.f32 v51, v14;
	_ =	sdelay $0x1  }
0x1de: {  	v14 =	vadd.f32 v52, v14;
	_ =	sdelay $0x1  }
0x1df: {  	v14 =	vmax.f32 v14, $1.000000000e+00  }
0x1e0: {  	(erf) = vrcp.f32 v14;
	_ =	sdelay $0x6  }
0x1e1: {  	v23 =	vld [tilespmem:s28+$0x14200]  }
0x1e2: {  	s9 =	rddreg [dreg:$0x6];
	v24 =	vld [tilespmem:s28+$0x14280]  }
0x1e3: {  	s9 =	sadd.s32 $0x40, s9;
	v29 =	vld [tilespmem:s28+$0x14300];
	v14 =	vpop (erf)  }
0x1e4: {  	v32 =	vld [tilespmem:s28+$0x14380];
	[tilespmem:s9+$0x10] =	vst v14  }
0x1e5: {  	v21 =	vld [tilespmem:s23+$0x11A00]  }
0x1e6: {  	v22 =	vld [tilespmem:s23+$0x11A80]  }
0x1e7: {  	v20 =	vld [tilespmem:s23+$0x11B00]  }
0x1e8: {  	v19 =	vld [tilespmem:s23+$0x11B80]  }
0x1e9: {  	v18 =	vld [tilespmem:s6+$0x11A00]  }
0x1ea: {  	v17 =	vld [tilespmem:s7+$0x11A00]  }
0x1eb: {  	v16 =	vld [tilespmem:s19+$0x11A00]  }
0x1ec: {  	v15 =	vld [tilespmem:s0+$0x11A00];
	s7 =	sor.u32 s31, s24  }
0x1ed: {  	v25 =	vld [tilespmem:s7+$0x14200]  }
0x1ee: {  	s6 =	sor.u32 s30, s24;
	v26 =	vld [tilespmem:s7+$0x14280]  }
0x1ef: {  	v27 =	vld [tilespmem:s6+$0x14200]  }
0x1f0: {  	v28 =	vld [tilespmem:s6+$0x14280]  }
0x1f1: {  	v30 =	vld [tilespmem:s7+$0x14300]  }
0x1f2: {  	v31 =	vld [tilespmem:s6+$0x14300]  }
0x1f3: {  	s17 =	sadd.s32 $0x10, s17;
	v33 =	vld [tilespmem:s7+$0x14380]  }
0x1f4: {  	s14 =	sor.u32 $0x200, s11;
	s0 =	sor.u32 $0x200, s17;
	v34 =	vld [tilespmem:s6+$0x14380]  }
0x1f5: {  	v35 =	vld [tilespmem:s0+$0x14200];
	[smem:$0x7B2] =	sst s14  }
0x1f6: {  	s18 =	sor.u32 $0x280, s11;
	s20 =	sor.u32 $0x280, s17;
	v36 =	vld [tilespmem:s14+$0x14200]  }
0x1f7: {  	s24 =	sor.u32 $0x300, s17;
	v37 =	vld [tilespmem:s20+$0x14200];
	[smem:$0x7B3] =	sst s18  }
0x1f8: {  	s5 =	sor.u32 s5, s4;
	s17 =	sor.u32 $0x300, s11;
	[smem:$0x7B4] =	sst s24  }
0x1f9: {  	s3 =	sor.u32 s3, s4;
	s5 =	sor.u32 $0x380, s5;
	v38 =	vld [tilespmem:s18+$0x14200];
	[smem:$0x7B5] =	sst s17  }
0x1fa: {  	s3 =	sor.u32 $0x380, s3;
	s18 =	sor.u32 s4, s25;
	v39 =	vld [tilespmem:s24+$0x14200];
	[smem:$0x7B6] =	sst s5  }
0x1fb: {  	s4 =	sor.u32 $0x380, s18;
	v40 =	vld [tilespmem:s17+$0x14200];
	[smem:$0x7B7] =	sst s3  }
0x1fc: {  	v53 =	vld [tilespmem:s5+$0x14200];
	[smem:$0x7B8] =	sst s4  }
0x1fd: {  	s19 =	sor.u32 s30, s21;
	v27 =	vadd.f32 v28, v27;
	v54 =	vld [tilespmem:s3+$0x14200]  }
0x1fe: {  	s24 =	sor.u32 s1, s21;
	s21 =	sor.u32 s31, s21;
	v55 =	vld [tilespmem:s4+$0x14200];
	[smem:$0x7BA] =	sst s19  }
0x1ff: {  	v27 =	vadd.f32 v31, v27;
	v56 =	vld [tilespmem:s19+$0x14200];
	[smem:$0x7B9] =	sst s21  }
0x200: {  	s23 =	sor.u32 s30, s16;
	v57 =	vld [tilespmem:s24+$0x14200]  }
0x201: {  	v23 =	vadd.f32 v24, v23;
	v58 =	vld [tilespmem:s21+$0x14200];
	[smem:$0x7BB] =	sst s23;
	v27 =	vadd.f32 v34, v27  }
0x202: {  	s17 =	sor.u32 s1, s16;
	v59 =	vld [tilespmem:s23+$0x14200]  }
0x203: {  	v23 =	vadd.f32 v29, v23;
	s18 =	smov.u32 s25;
	s25 =	sor.u32 s30, s22;
	s23 =	sor.u32 s31, s16;
	v60 =	vld [tilespmem:s17+$0x14200];
	v27 =	vadd.f32 v36, v27  }
0x204: {  	v25 =	vadd.f32 v26, v25;
	v61 =	vld [tilespmem:s23+$0x14200];
	[smem:$0x7BC] =	sst s25  }
0x205: {  	v23 =	vadd.f32 v32, v23;
	s16 =	sor.u32 s1, s22;
	v62 =	vld [tilespmem:s25+$0x14200];
	v27 =	vadd.f32 v38, v27  }
0x206: {  	s4 =	sor.u32 s30, s12;
	v25 =	vadd.f32 v30, v25;
	s19 =	sor.u32 s31, s22;
	v63 =	vld [tilespmem:s16+$0x14200]  }
0x207: {  	v23 =	vadd.f32 v35, v23;
	v27 =	vadd.f32 v40, v27;
	v40 =	vld [tilespmem:s19+$0x14200];
	[smem:$0x7BD] =	sst s4  }
0x208: {  	s14 =	sor.u32 s1, s12;
	v25 =	vadd.f32 v33, v25;
	v41 =	vld [tilespmem:s4+$0x14200]  }
0x209: {  	s5 =	sor.u32 s30, s15;
	v23 =	vadd.f32 v37, v23;
	s22 =	sor.u32 s31, s12;
	v43 =	vld [tilespmem:s14+$0x14200];
	v27 =	vadd.f32 v55, v27  }
0x20a: {  	v5 =	vadd.f32 v5, v25;
	v44 =	vld [tilespmem:s22+$0x14200];
	[smem:$0x7BE] =	sst s5  }
0x20b: {  	v23 =	vadd.f32 v39, v23;
	s12 =	sor.u32 s1, s15;
	v46 =	vld [tilespmem:s5+$0x14200];
	v27 =	vadd.f32 v56, v27  }
0x20c: {  	s15 =	sor.u32 s31, s15;
	v4 =	vadd.f32 v4, v5;
	v47 =	vld [tilespmem:s12+$0x14200]  }
0x20d: {  	v42 =	vadd.f32 v53, v23;
	s25 =	sor.u32 s30, s13;
	v48 =	vld [tilespmem:s15+$0x14200];
	v27 =	vadd.f32 v59, v27  }
0x20e: {  	s21 =	sor.u32 s30, s2;
	v3 =	vadd.f32 v3, v4;
	v49 =	vld [tilespmem:s25+$0x14200]  }
0x20f: {  	v45 =	vadd.f32 v57, v42;
	s4 =	sor.u32 s1, s2;
	v52 =	vld [tilespmem:s21+$0x14200];
	v27 =	vadd.f32 v62, v27  }
0x210: {  	v3 =	vadd.f32 v54, v3;
	s5 =	sor.u32 s1, s13;
	v53 =	vld [tilespmem:s4+$0x14200]  }
0x211: {  	s11 =	sor.u32 s30, s8;
	v4 =	vadd.f32 v60, v45;
	s13 =	sor.u32 s31, s13;
	v50 =	vld [tilespmem:s5+$0x14200];
	v27 =	vadd.f32 v41, v27  }
0x212: {  	v51 =	vld [tilespmem:s13+$0x14200];
	[smem:$0x7BF] =	sst s11;
	v3 =	vadd.f32 v58, v3  }
0x213: {  	v4 =	vadd.f32 v63, v4;
	v56 =	vld [tilespmem:s26+$0x11A00];
	s26 =	sld [smem:$0x7AC];
	v5 =	vadd.f32 v46, v27  }
0x214: {  	s3 =	sor.u32 s31, s2;
	v54 =	vld [tilespmem:s11+$0x14200];
	v3 =	vadd.f32 v61, v3  }
0x215: {  	v57 =	vld [tilespmem:s3+$0x14200];
	v4 =	vadd.f32 v43, v4;
	v5 =	vadd.f32 v49, v5  }
0x216: {  	s11 =	sor.u32 s1, s8;
	v28 =	vld [tilespmem:s26+$0x11A00];
	s26 =	sor.u32 s31, s8;
	s8 =	sld [smem:$0x7AD];
	v3 =	vadd.f32 v40, v3  }
0x217: {  	v33 =	vld [tilespmem:s29+$0x11A00];
	s29 =	rddreg [dreg:$0x4];
	v4 =	vadd.f32 v47, v4;
	v5 =	vadd.f32 v52, v5  }
0x218: {  	v55 =	vld [tilespmem:s11+$0x14200];
	s2 =	sadd.s32 s18, s29;
	s18 =	rddreg [dreg:$0x8];
	v3 =	vadd.f32 v44, v3  }
0x219: {  	v4 =	vadd.f32 v50, v4;
	v25 =	vld [tilespmem:s8+$0x11A00];
	s8 =	sld [smem:$0x7AE];
	v5 =	vadd.f32 v54, v5  }
0x21a: {  	v34 =	vld [tilespmem:s18+$0x11A00];
	v3 =	vadd.f32 v48, v3  }
0x21b: {  	s18 =	rddreg [dreg:$0x9];
	v58 =	vld [tilespmem:s26+$0x14200];
	v4 =	vadd.f32 v53, v4;
	v5 =	vmax.f32 v5, $1.000000000e+00  }
0x21c: {  	v27 =	vld [tilespmem:s8+$0x11A00];
	s8 =	sld [smem:$0x7AF];
	v3 =	vadd.f32 v51, v3;
	(erf) = vrcp.f32 v5  }
0x21d: {  	s2 =	sand.u32 $0x7F80, s2;
	v35 =	vld [tilespmem:s18+$0x11A00];
	s18 =	rddreg [dreg:$0xd];
	v4 =	vadd.f32 v55, v4  }
0x21e: {  	s2 =	sadd.s32 $0x9D00, s2;
	v36 =	vld [tilespmem:s18+$0x11A00];
	v3 =	vadd.f32 v57, v3  }
0x21f: {  	s10 =	sor.u32 s10, s2;
	v29 =	vld [tilespmem:s8+$0x11A00];
	v4 =	vmax.f32 v4, $1.000000000e+00;
	s8 =	sld [smem:$0x7B0]  }
0x220: {  	s18 =	rddreg [dreg:$0x7];
	v37 =	vld [tilespmem:s10+$0x0];
	v3 =	vadd.f32 v58, v3;
	(erf) = vrcp.f32 v4  }
0x221: {  	v38 =	vld [tilespmem:s18+$0x11A00];
	s10 =	rddreg [dreg:$0x13]  }
0x222: {  	v26 =	vld [tilespmem:s8+$0x11A00];
	s8 =	sld [smem:$0x7B1];
	v3 =	vmax.f32 v3, $1.000000000e+00  }
0x223: {  	s18 =	rddreg [dreg:$0x12];
	v24 =	vld [tilespmem:s10+$0x0]  }
0x224: {  	v23 =	vld [tilespmem:s18+$0x0]  }
0x225: {  	v31 =	vld [tilespmem:s8+$0x11A00];
	s8 =	rddreg [dreg:$0xa];
	(erf) = vrcp.f32 v3;
	v3 =	vpop (erf)  }
0x226: {  	v21 =	vadd.f32 v22, v21;
	v32 =	vld [tilespmem:s8+$0x11A00];
	[tilespmem:s9+$0xFFFFFFE0] =	vst v3  }
0x227: {  	v47 =	vld [tilespmem:s6+$0x11A00]  }
0x228: {  	v20 =	vadd.f32 v20, v21;
	v61 =	vld [tilespmem:s6+$0x11A80]  }
0x229: {  	v4 =	vpop (erf);
	v48 =	vld [tilespmem:s6+$0x11B00]  }
0x22a: {  	v19 =	vadd.f32 v19, v20;
	[tilespmem:s9+$0xFFFFFFF0] =	vst v4;
	v49 =	vld [tilespmem:s6+$0x11B80]  }
0x22b: {  	v59 =	vld [tilespmem:s28+$0x11A00]  }
0x22c: {  	v18 =	vadd.f32 v18, v19;
	v60 =	vld [tilespmem:s28+$0x11A80]  }
0x22d: {  	v41 =	vld [tilespmem:s28+$0x11B00]  }
0x22e: {  	v17 =	vadd.f32 v17, v18;
	v42 =	vld [tilespmem:s28+$0x11B80]  }
0x22f: {  	v62 =	vld [tilespmem:s0+$0x11A00]  }
0x230: {  	v63 =	vadd.f32 v16, v17;
	v51 =	vld [tilespmem:s20+$0x11A00]  }
0x231: {  	v5 =	vpop (erf);
	v57 =	vld [tilespmem:s24+$0x11A00]  }
0x232: {  	v17 =	vadd.f32 v15, v63;
	[tilespmem:s9+$0x0] =	vst v5;
	v63 =	vld [tilespmem:s16+$0x11A00]  }
0x233: {  	v43 =	vld [tilespmem:s7+$0x11A00]  }
0x234: {  	v44 =	vld [tilespmem:s7+$0x11A80]  }
0x235: {  	v45 =	vld [tilespmem:s7+$0x11B00];
	s28 =	rddreg [dreg:$0x11]  }
0x236: {  	v46 =	vld [tilespmem:s7+$0x11B80];
	s6 =	sld [smem:$0x7B2]  }
0x237: {  	s7 =	rddreg [dreg:$0x10];
	v40 =	vld [tilespmem:s19+$0x11A00]  }
0x238: {  	s8 =	sld [smem:$0x7B3];
	v50 =	vld [tilespmem:s28+$0x11A00]  }
0x239: {  	s10 =	rddreg [dreg:$0xf];
	v19 =	vld [tilespmem:s7+$0x11A00]  }
0x23a: {  	v6 =	vadd.f32 v6, v11;
	v7 =	vadd.f32 v7, v12;
	s9 =	sld [smem:$0x7B4];
	v53 =	vld [tilespmem:s10+$0x11A00]  }
0x23b: {  	v8 =	vadd.f32 v8, v13;
	s18 =	sld [smem:$0x7B5];
	v20 =	vld [tilespmem:s6+$0x11A00]  }
0x23c: {  	v7 =	vadd.f32 v10, v7;
	v6 =	vadd.f32 v9, v6;
	s20 =	sld [smem:$0x7B6];
	v52 =	vld [tilespmem:s8+$0x11A00]  }
0x23d: {  	v9 =	vadd.f32 v56, v17;
	v18 =	vld [tilespmem:s9+$0x11A00];
	v54 =	vadd.f32 v60, v59  }
0x23e: {  	v6 =	vadd.f32 v34, v6;
	s16 =	sld [smem:$0x7BE];
	v16 =	vld [tilespmem:s18+$0x11A00];
	v56 =	vadd.f32 v44, v43  }
0x23f: {  	s28 =	sld [smem:$0x7B7];
	v12 =	vld [tilespmem:s20+$0x11A00];
	v22 =	vadd.f32 v61, v47;
	v10 =	vadd.f32 v41, v54  }
0x240: {  	v9 =	vadd.f32 v28, v9;
	s7 =	sld [smem:$0x7B9];
	v61 =	vld [tilespmem:s23+$0x11A00];
	v15 =	vadd.f32 v45, v56  }
0x241: {  	v47 =	vld [tilespmem:s16+$0x11A00];
	v22 =	vadd.f32 v48, v22;
	v10 =	vadd.f32 v42, v10  }
0x242: {  	v7 =	vadd.f32 v35, v7;
	v11 =	vld [tilespmem:s28+$0x11A00];
	v15 =	vadd.f32 v46, v15  }
0x243: {  	s6 =	sld [smem:$0x7B8];
	v58 =	vld [tilespmem:s7+$0x11A00];
	v22 =	vadd.f32 v49, v22;
	v10 =	vadd.f32 v62, v10  }
0x244: {  	v6 =	vadd.f32 v38, v6;
	v60 =	vld [tilespmem:s17+$0x11A00];
	v15 =	vadd.f32 v50, v15  }
0x245: {  	s8 =	sld [smem:$0x7BA];
	v43 =	vld [tilespmem:s22+$0x11A00];
	v20 =	vadd.f32 v20, v22;
	v10 =	vadd.f32 v51, v10  }
0x246: {  	v1 =	vmul.f32 v7, v1;
	v9 =	vadd.f32 v25, v9;
	s10 =	sld [smem:$0x7BC];
	v55 =	vld [tilespmem:s6+$0x11A00];
	v15 =	vadd.f32 v19, v15  }
0x247: {  	s9 =	sld [smem:$0x7BB];
	v48 =	vld [tilespmem:s5+$0x11A00];
	v20 =	vadd.f32 v52, v20;
	v10 =	vadd.f32 v18, v10  }
0x248: {  	v1 =	vadd.f32 v1, v24;
	v59 =	vld [tilespmem:s8+$0x11A00];
	v15 =	vadd.f32 v53, v15  }
0x249: {  	v41 =	vld [tilespmem:s10+$0x11A00];
	v16 =	vadd.f32 v16, v20;
	v10 =	vadd.f32 v12, v10  }
0x24a: {  	v9 =	vadd.f32 v27, v9;
	v62 =	vld [tilespmem:s9+$0x11A00];
	v11 =	vadd.f32 v11, v15  }
0x24b: {  	v42 =	vld [tilespmem:s14+$0x11A00];
	s14 =	sld [smem:$0x7BD];
	v13 =	vadd.f32 v55, v16;
	v10 =	vadd.f32 v57, v10  }
0x24c: {  	v9 =	vadd.f32 v29, v9;
	v54 =	vld [tilespmem:s11+$0x11A00];
	v11 =	vadd.f32 v58, v11  }
0x24d: {  	v45 =	vld [tilespmem:s12+$0x11A00];
	v13 =	vadd.f32 v59, v13;
	v10 =	vadd.f32 v60, v10  }
0x24e: {  	v9 =	vadd.f32 v26, v9;
	v44 =	vld [tilespmem:s14+$0x11A00];
	v11 =	vadd.f32 v61, v11  }
0x24f: {  	v46 =	vld [tilespmem:s15+$0x11A00];
	v13 =	vadd.f32 v62, v13;
	v10 =	vadd.f32 v63, v10  }
0x250: {  	v9 =	vadd.f32 v31, v9;
	v49 =	vld [tilespmem:s13+$0x11A00];
	v11 =	vadd.f32 v40, v11  }
0x251: {  	v50 =	vld [tilespmem:s25+$0x11A00];
	v13 =	vadd.f32 v41, v13;
	v10 =	vadd.f32 v42, v10  }
0x252: {  	v8 =	vadd.f32 v32, v8;
	v51 =	vld [tilespmem:s4+$0x11A00];
	v11 =	vadd.f32 v43, v11  }
0x253: {  	s17 =	sld [smem:$0x7BF];
	v52 =	vld [tilespmem:s3+$0x11A00];
	v12 =	vadd.f32 v44, v13;
	v10 =	vadd.f32 v45, v10  }
0x254: {  	v9 =	vadd.f32 v33, v9;
	v53 =	vld [tilespmem:s21+$0x11A00];
	v11 =	vadd.f32 v46, v11  }
0x255: {  	v55 =	vld [tilespmem:s26+$0x11A00];
	v12 =	vadd.f32 v47, v12;
	v10 =	vadd.f32 v48, v10  }
0x256: {  	v8 =	vadd.f32 v36, v8;
	v9 =	vmul.f32 v9, v14;
	s18 =	rddreg [dreg:$0xb];
	v56 =	vld [tilespmem:s17+$0x11A00];
	v11 =	vadd.f32 v49, v11  }
0x257: {  	s19 =	sor.u32 s1, s2;
	v57 =	vld [tilespmem:s18+$0x0];
	v58 =	vadd.f32 v50, v12;
	v10 =	vadd.f32 v51, v10  }
0x258: {  	v9 =	vadd.f32 v9, v37;
	s20 =	sor.u32 s31, s2;
	v59 =	vld [tilespmem:s19+$0x0];
	v60 =	vadd.f32 v52, v11  }
0x259: {  	v2 =	vmul.f32 v8, v2;
	s21 =	sor.u32 s30, s2;
	v61 =	vld [tilespmem:s20+$0x0];
	v7 =	vadd.f32 v53, v58;
	v10 =	vadd.f32 v54, v10  }
0x25a: {  	v0 =	vmul.f32 v6, v0;
	v9 =	vmul.f32 $5.000000000e-01, v9;
	s22 =	rddreg [dreg:$0x5];
	v62 =	vld [tilespmem:s21+$0x0];
	v63 =	vadd.f32 v55, v60  }
0x25b: {  	v2 =	vadd.f32 v2, v23;
	s0 =	sadd.s32 $0x40, s22;
	v7 =	vadd.f32 v56, v7;
	v4 =	vmul.f32 v10, v4  }
0x25c: {  	v1 =	vmul.f32 $5.000000000e-01, v1;
	[tilespmem:s0+$0x10] =	vst v9;
	v0 =	vadd.f32 v0, v57;
	v5 =	vmul.f32 v63, v5  }
0x25d: {  	v2 =	vmul.f32 $5.000000000e-01, v2;
	s23 =	rddreg [dreg:$0xe];
	v3 =	vmul.f32 v7, v3;
	v4 =	vadd.f32 v4, v59  }
0x25e: {  	[tilespmem:s23+$0xFFFFFFF0] =	vst v1;
	v0 =	vmul.f32 $5.000000000e-01, v0;
	v1 =	vadd.f32 v5, v61  }
0x25f: {  	[tilespmem:s23+$0x0] =	vst v2;
	v3 =	vadd.f32 v3, v62;
	v2 =	vmul.f32 $5.000000000e-01, v4  }
0x260: {  	[tilespmem:s23+$0xFFFFFFE0] =	vst v0;
	v0 =	vmul.f32 $5.000000000e-01, v1  }
0x261: {  	v1 =	vmul.f32 $5.000000000e-01, v3;
	[tilespmem:s0+$0xFFFFFFF0] =	vst v2  }
0x262: {  	[tilespmem:s0+$0x0] =	vst v0  }
0x263: {  	[tilespmem:s0+$0xFFFFFFE0] =	vst v1  }
0x264: {  	s26 =	sld [smem:$0x7FB];
	_ =	sdelay $0x1  }
0x265: {  	s24 =	simm.s32 $0x0;
	s28 =	simm.s32 $0x3;
	s25 =	simm.s32 $0x11780  }
0x266: {  	[hbm4b:s26+s24] =	stream.linear.scatter [tilespmem:s25], [sflag:$0x3], $0x280, $0x38;
	[tilespmem:$0x16C00] =	vst v63  }
0x267: {  	_ =	swait.ge [sflag:s28], $0x280  }
0x268: {  	[sflag:s28] =	ssyncset.done $0x0  }
0x269: {  	[sflag:s28] =	ssyncadd.s32 $0xFFFFFD80  }
0x26a: {  	[bflag:$0x0] =	sbarrier.arrive $0xFFFF  }
0x26b: {  	s31 =	sld [smem:$0x7FA];
	_ =	sdelay $0x1  }
0x26c: {  	s30 =	simm.s32 $0x9D00  }
0x26d: {  	[tilespmem:s30], [sflag:$0x3] =	stream.linear.gather [hbm4b:s31+s24], $0x2800, $0x38;
	[tilespmem:$0x16C00] =	vst v63  }
0x26e: {  	_ =	swait.ge [sflag:s28], $0x2800  }
0x26f: {  	[sflag:s28] =	ssyncset.done $0x0  }
0x270: {  	[sflag:s28] =	ssyncadd.s32 $0xFFFFD800  }
0x271: {  	s0 =	simm.s32 $0xC540;
	v0 =	vimm.f32 $0.0e+00;
	[bflag:$0x0] =	sbarrier.arrive $0xFFFF  }
0x272: {  	[tilespmem:s0+$0xFFFFFFC0] =	vst v0  }
0x273: {  	[tilespmem:s0+$0x30] =	vst v0  }
0x274: {  	[tilespmem:s0+$0x20] =	vst v0  }
0x275: {  	[tilespmem:s0+$0x10] =	vst v0  }
0x276: {  	[tilespmem:s0+$0x0] =	vst v0  }
0x277: {  	[tilespmem:s0+$0xFFFFFFF0] =	vst v0  }
0x278: {  	s1 =	simm.s32 $0x0;
	s13 =	smov.u32 s29;
	[tilespmem:s0+$0xFFFFFFE0] =	vst v0  }
.LBB2_8:
0x279: {  	s1 =	sadd.s32 $0x80, s1;
	[tilespmem:s0+$0xFFFFFFD0] =	vst v0;
	s0 =	sadd.s32 $0x80, s0  }
0x27a: {  	[tilespmem:s0+$0xFFFFFFC0] =	vst v0;
	p0 =	slt.u32 s1, $0x2780  }
0x27b: {  	[tilespmem:s0+$0x30] =	vst v0  }
.Ltmp5:
0x27c: {  	[tilespmem:s0+$0x20] =	vst v0;
	(pc) =	sbr.rel @p0 .LBB2_8-.Ltmp5, $4  }
0x27d: {  	[tilespmem:s0+$0x10] =	vst v0  }
0x27e: {  	[tilespmem:s0+$0x0] =	vst v0  }
0x27f: {  	[tilespmem:s0+$0xFFFFFFF0] =	vst v0  }
0x280: {  	[tilespmem:s0+$0xFFFFFFE0] =	vst v0  }
0x281: {  	[tilespmem:s0+$0xFFFFFFD0] =	vst v0  }
0x282: {  	s3 =	sld [smem:$0x7F5];
	_ =	sdelay $0x2  }
0x283: {  	v0 =	vld [tilespmem:s3+$0xFFFFFFF0]  }
0x284: {  	v1 =	vld [tilespmem:s3+$0xFFFFFF80]  }
0x285: {  	v2 =	vld [tilespmem:s3+$0xFFFFFF90]  }
0x286: {  	v3 =	vld [tilespmem:s3+$0xFFFFFFA0]  }
0x287: {  	v4 =	vld [tilespmem:s3+$0xFFFFFFB0]  }
0x288: {  	v5 =	vld [tilespmem:s3+$0xFFFFFFC0]  }
0x289: {  	v6 =	vld [tilespmem:s3+$0x70]  }
0x28a: {  	v7 =	vld [tilespmem:s3+$0xFFFFFFD0]  }
0x28b: {  	v9 =	vld [tilespmem:s3+$0xFFFFFFE0]  }
0x28c: {  	v62 =	vld [tilespmem:s3+$0x10]  }
0x28d: {  	v63 =	vld [tilespmem:s3+$0x20]  }
0x28e: {  	s1 =	simm.s32 $0x9D00;
	v10 =	vld [tilespmem:s3+$0x30]  }
0x28f: {  	v8 =	vld.idx.msk [tilespmem:v0+s1+$0x0], $0xffff  }
0x290: {  	v2 =	vld.idx.msk [tilespmem:v2+s1+$0x0], $0xffff  }
0x291: {  	v3 =	vld.idx.msk [tilespmem:v3+s1+$0x0], $0xffff  }
0x292: {  	s4 =	sld [smem:$0x7F8];
	v4 =	vld.idx.msk [tilespmem:v4+s1+$0x0], $0xffff  }
0x293: {  	s0 =	simm.s32 $0xC500;
	s5 =	sld [smem:$0x7F9];
	v11 =	vld [tilespmem:s3+$0x40]  }
0x294: {  	s6 =	sld [smem:$0x7F7];
	[tilespmem:v6+s0+$0x0] =	vst.idx.add.f32.msk $0xffff, v8  }
0x295: {  	[tilespmem:v62+s0+$0x0] =	vst.idx.add.f32.msk $0xffff, v2  }
0x296: {  	[tilespmem:v63+s0+$0x0] =	vst.idx.add.f32.msk $0xffff, v3  }
0x297: {  	[tilespmem:v10+s0+$0x0] =	vst.idx.add.f32.msk $0xffff, v4  }
0x298: {  	v12 =	vld [tilespmem:s3+$0x50];
	s2 =	sld [smem:$0x7F6]  }
0x299: {  	v13 =	vld [tilespmem:s3+$0x60]  }
0x29a: {  	v5 =	vld.idx.msk [tilespmem:v5+s1+$0x0], $0xffff  }
0x29b: {  	v61 =	vld.idx.msk [tilespmem:v7+s1+$0x0], $0xffff;
	s2 =	sadd.s32 $0x80, s2  }
0x29c: {  	v9 =	vld.idx.msk [tilespmem:v9+s1+$0x0], $0xffff;
	p0 =	slt.u32 s2, s6  }
.Ltmp6:
0x29d: {  	v0 =	vld.idx.msk [tilespmem:v1+s1+$0x0], $0xffff;
	(pc) =	sbr.rel @!p0 .LBB2_11-.Ltmp6, $4  }
0x29e: {  	v1 =	vld [tilespmem:s3+$0x0]  }
0x29f: {  	[tilespmem:v11+s0+$0x0] =	vst.idx.add.f32.msk $0xffff, v5  }
0x2a0: {  	[tilespmem:v12+s0+$0x0] =	vst.idx.add.f32.msk $0xffff, v61  }
0x2a1: {  	s3 =	sadd.s32 $0x100, s3;
	[tilespmem:v13+s0+$0x0] =	vst.idx.add.f32.msk $0xffff, v9  }
.LBB2_10:
0x2a2: {  	v2 =	vld [tilespmem:s3+$0xFFFFFFF0];
	s2 =	sadd.s32 $0x80, s2  }
0x2a3: {  	v3 =	vld [tilespmem:s3+$0xFFFFFF80];
	p0 =	slt.u32 s2, s6  }
0x2a4: {  	v4 =	vld [tilespmem:s3+$0xFFFFFF90]  }
0x2a5: {  	v5 =	vld [tilespmem:s3+$0xFFFFFFA0]  }
0x2a6: {  	v6 =	vld [tilespmem:s3+$0xFFFFFFB0]  }
0x2a7: {  	v7 =	vld [tilespmem:s3+$0xFFFFFFC0]  }
0x2a8: {  	v8 =	vld [tilespmem:s3+$0x70]  }
0x2a9: {  	v9 =	vld [tilespmem:s3+$0xFFFFFFD0]  }
0x2aa: {  	v2 =	vld.idx.msk [tilespmem:v2+s1+$0x0], $0xffff  }
0x2ab: {  	v10 =	vld [tilespmem:s3+$0xFFFFFFE0]  }
0x2ac: {  	v3 =	vld.idx.msk [tilespmem:v3+s1+$0x0], $0xffff  }
0x2ad: {  	v4 =	vld.idx.msk [tilespmem:v4+s1+$0x0], $0xffff  }
0x2ae: {  	v5 =	vld.idx.msk [tilespmem:v5+s1+$0x0], $0xffff  }
0x2af: {  	v6 =	vld.idx.msk [tilespmem:v6+s1+$0x0], $0xffff  }
0x2b0: {  	[tilespmem:v8+s0+$0x0] =	vst.idx.add.f32.msk $0xffff, v2  }
0x2b1: {  	v2 =	vld.idx.msk [tilespmem:v7+s1+$0x0], $0xffff  }
0x2b2: {  	v7 =	vld.idx.msk [tilespmem:v9+s1+$0x0], $0xffff  }
0x2b3: {  	v8 =	vld.idx.msk [tilespmem:v10+s1+$0x0], $0xffff  }
0x2b4: {  	v9 =	vld [tilespmem:s3+$0x10]  }
0x2b5: {  	v10 =	vld [tilespmem:s3+$0x20]  }
0x2b6: {  	v11 =	vld [tilespmem:s3+$0x30]  }
0x2b7: {  	v12 =	vld [tilespmem:s3+$0x40]  }
0x2b8: {  	v13 =	vld [tilespmem:s3+$0x50]  }
0x2b9: {  	v14 =	vld [tilespmem:s3+$0x60]  }
0x2ba: {  	v15 =	vld [tilespmem:s3+$0x0]  }
0x2bb: {  	[tilespmem:v1+s0+$0x0] =	vst.idx.add.f32.msk $0xffff, v0;
	v0 =	vmov v3  }
0x2bc: {  	[tilespmem:v9+s0+$0x0] =	vst.idx.add.f32.msk $0xffff, v4  }
.Ltmp7:
0x2bd: {  	[tilespmem:v10+s0+$0x0] =	vst.idx.add.f32.msk $0xffff, v5;
	(pc) =	sbr.rel @p0 .LBB2_10-.Ltmp7, $4  }
0x2be: {  	[tilespmem:v11+s0+$0x0] =	vst.idx.add.f32.msk $0xffff, v6  }
0x2bf: {  	[tilespmem:v12+s0+$0x0] =	vst.idx.add.f32.msk $0xffff, v2;
	v1 =	vmov v15  }
0x2c0: {  	[tilespmem:v13+s0+$0x0] =	vst.idx.add.f32.msk $0xffff, v7  }
0x2c1: {  	s3 =	sadd.s32 $0x100, s3;
	[tilespmem:v14+s0+$0x0] =	vst.idx.add.f32.msk $0xffff, v8  }
.LBB2_11:
0x2c2: {  	_ =	sdelay $0x3  }
0x2c3: {  	s23 =	simm.s32 $0x80  }
0x2c4: {  	s1 =	simm.s32 $0x400;
	s2 =	simm.s32 $0xC500;
	s24 =	simm.s32 $0x1;
	[tilespmem:v1+s0+$0x0] =	vst.idx.add.f32.msk $0xffff, v0  }
0x2c5: {  	[hbm4b:s4+s23] =	stream.strided.scatter [tilespmem:s2], [sflag:$0x1], $0x2800, s1, s23, $0x38;
	[tilespmem:$0x16C00] =	vst v63  }
0x2c6: {  	_ =	swait.ge [sflag:s24], $0x2800  }
0x2c7: {  	[sflag:s24] =	ssyncset.done $0x0  }
0x2c8: {  	s25 =	simm.s32 $0x1400;
	s26 =	simm.s32 $0x14000;
	[sflag:s24] =	ssyncadd.s32 $0xFFFFD800  }
0x2c9: {  	s3 =	simm.s32 $0x11A00;
	s28 =	simm.s32 $0x0;
	[bflag:$0x0] =	sbarrier.arrive $0xFFFF  }
0x2ca: {  	[tilespmem:s3], [sflag:$0x1] =	stream.strided.gather [hbm4b:s5+s25], $0x2800, s26, s25, $0x38;
	[tilespmem:$0x16C00] =	vst v63  }
0x2cb: {  	s29 =	simm.s32 $0x10;
	s8 =	sand.u32 $0x1C00, s28;
	_ =	swait.ge [sflag:s24], $0x2800  }
0x2cc: {  	s1 =	sadd.s32 $0x13100, s8;
	s5 =	sand.u32 $0x40, s28;
	[sflag:s24] =	ssyncset.done $0x0  }
0x2cd: {  	s7 =	sadd.s32 $0x13000, s8;
	s0 =	sor.u32 s5, s1;
	[sflag:s24] =	ssyncadd.s32 $0xFFFFD800  }
0x2ce: {  	s6 =	sand.u32 $0x50, s29;
	s9 =	sadd.s32 $0x12E00, s8;
	s30 =	sor.u32 s5, s7;
	v0 =	vld [tilespmem:s0+$0x0]  }
0x2cf: {  	s12 =	simm.s32 $0x20;
	s10 =	sadd.s32 $0x12E80, s8;
	s3 =	sor.u32 s6, s9;
	v1 =	vld [tilespmem:s30+$0x0]  }
0x2d0: {  	s4 =	sand.u32 $0x60, s12;
	s31 =	sor.u32 s5, s10;
	v2 =	vld [tilespmem:s3+$0x0]  }
0x2d1: {  	s17 =	sadd.s32 $0x11A00, s8;
	s18 =	sor.u32 s4, s9;
	v3 =	vld [tilespmem:s31+$0x0]  }
0x2d2: {  	s19 =	sor.u32 s5, s17;
	v6 =	vld [tilespmem:s18+$0x0]  }
0x2d3: {  	v7 =	vld [tilespmem:s19+$0x180]  }
0x2d4: {  	v8 =	vld [tilespmem:s19+$0x380]  }
0x2d5: {  	v9 =	vld [tilespmem:s19+$0x300]  }
0x2d6: {  	v10 =	vld [tilespmem:s19+$0x100]  }
0x2d7: {  	v11 =	vld [tilespmem:s19+$0x280]  }
0x2d8: {  	v12 =	vld [tilespmem:s19+$0x0]  }
0x2d9: {  	v13 =	vld [tilespmem:s19+$0x200]  }
0x2da: {  	s20 =	sor.u32 s4, s10;
	v14 =	vld [tilespmem:s19+$0x80]  }
0x2db: {  	s21 =	sor.u32 s6, s17;
	v15 =	vld [tilespmem:s20+$0x0]  }
0x2dc: {  	v16 =	vld [tilespmem:s21+$0x380]  }
0x2dd: {  	v17 =	vld [tilespmem:s21+$0x300]  }
0x2de: {  	v18 =	vld [tilespmem:s21+$0x0]  }
0x2df: {  	v19 =	vld [tilespmem:s21+$0x280]  }
0x2e0: {  	v20 =	vld [tilespmem:s21+$0x200]  }
0x2e1: {  	v21 =	vld [tilespmem:s21+$0x180]  }
0x2e2: {  	v22 =	vld [tilespmem:s21+$0x100]  }
0x2e3: {  	s23 =	sor.u32 s4, s1;
	v23 =	vld [tilespmem:s21+$0x80]  }
0x2e4: {  	s11 =	simm.s32 $0x30;
	s24 =	sor.u32 s6, s10;
	v50 =	vld [tilespmem:s23+$0x0]  }
0x2e5: {  	s3 =	sand.u32 $0x70, s11;
	s11 =	sor.u32 s4, s17;
	v51 =	vld [tilespmem:s24+$0x0]  }
0x2e6: {  	v25 =	vld [tilespmem:s11+$0x280]  }
0x2e7: {  	v27 =	vld [tilespmem:s11+$0x200]  }
0x2e8: {  	v29 =	vld [tilespmem:s11+$0x180]  }
0x2e9: {  	v31 =	vld [tilespmem:s11+$0x100]  }
0x2ea: {  	v32 =	vld [tilespmem:s11+$0x380]  }
0x2eb: {  	v46 =	vld [tilespmem:s11+$0x80]  }
0x2ec: {  	s29 =	sadd.s32 $0x12F80, s8;
	v34 =	vld [tilespmem:s11+$0x0]  }
0x2ed: {  	s0 =	sadd.s32 $0x12F00, s8;
	s30 =	sor.u32 s5, s29;
	v47 =	vld [tilespmem:s11+$0x300]  }
0x2ee: {  	s15 =	sor.u32 s5, s0;
	v54 =	vld [tilespmem:s30+$0x0]  }
0x2ef: {  	s16 =	sor.u32 s3, s9;
	v4 =	vld [tilespmem:s15+$0x0]  }
0x2f0: {  	s22 =	sor.u32 s3, s17;
	v5 =	vld [tilespmem:s16+$0x0];
	v12 =	vadd.f32 v14, v12  }
0x2f1: {  	v24 =	vld [tilespmem:s22+$0x380]  }
0x2f2: {  	v26 =	vld [tilespmem:s22+$0x280];
	v10 =	vadd.f32 v10, v12  }
0x2f3: {  	v28 =	vld [tilespmem:s22+$0x200];
	v18 =	vadd.f32 v23, v18  }
0x2f4: {  	v30 =	vld [tilespmem:s22+$0x180];
	v7 =	vadd.f32 v7, v10  }
0x2f5: {  	v48 =	vld [tilespmem:s22+$0x80];
	v18 =	vadd.f32 v22, v18  }
0x2f6: {  	v10 =	vld [tilespmem:s22+$0x0];
	v7 =	vadd.f32 v13, v7  }
0x2f7: {  	v33 =	vld [tilespmem:s22+$0x100];
	v18 =	vadd.f32 v21, v18  }
0x2f8: {  	s25 =	sor.u32 s5, s9;
	v49 =	vld [tilespmem:s22+$0x300];
	v14 =	vadd.f32 v46, v34;
	v7 =	vadd.f32 v11, v7  }
0x2f9: {  	s26 =	sor.u32 s6, s0;
	v18 =	vadd.f32 v20, v18;
	v11 =	vld [tilespmem:s25+$0x0]  }
0x2fa: {  	s10 =	sor.u32 s3, s10;
	v52 =	vld [tilespmem:s26+$0x0];
	v7 =	vadd.f32 v9, v7;
	v9 =	vadd.f32 v31, v14  }
0x2fb: {  	s11 =	sor.u32 s6, s29;
	v55 =	vld [tilespmem:s10+$0x0];
	v18 =	vadd.f32 v19, v18;
	v10 =	vadd.f32 v48, v10  }
0x2fc: {  	s17 =	sor.u32 s3, s0;
	s0 =	sor.u32 s4, s0;
	v56 =	vld [tilespmem:s11+$0x0];
	v7 =	vadd.f32 v8, v7;
	v8 =	vadd.f32 v29, v9  }
0x2fd: {  	s20 =	sor.u32 s3, s7;
	v59 =	vld [tilespmem:s0+$0x0];
	v17 =	vadd.f32 v17, v18;
	v10 =	vadd.f32 v33, v10  }
0x2fe: {  	s31 =	sor.u32 s6, s7;
	s7 =	sor.u32 s4, s7;
	v60 =	vld [tilespmem:s20+$0x0];
	v7 =	vadd.f32 v11, v7;
	v8 =	vadd.f32 v27, v8  }
0x2ff: {  	s9 =	sadd.s32 $0x13080, s8;
	s24 =	sor.u32 s3, s29;
	v61 =	vld [tilespmem:s7+$0x0];
	v16 =	vadd.f32 v16, v17;
	v10 =	vadd.f32 v30, v10  }
0x300: {  	s28 =	sor.u32 s4, s9;
	v62 =	vld [tilespmem:s24+$0x0];
	v3 =	vadd.f32 v3, v7;
	v7 =	vadd.f32 v25, v8  }
0x301: {  	s16 =	sor.u32 s6, s1;
	v53 =	vld [tilespmem:s28+$0x0];
	v2 =	vadd.f32 v2, v16;
	v10 =	vadd.f32 v28, v10  }
0x302: {  	s18 =	sor.u32 s5, s9;
	v57 =	vld [tilespmem:s16+$0x0];
	v3 =	vadd.f32 v4, v3;
	v4 =	vadd.f32 v47, v7  }
0x303: {  	v58 =	vld [tilespmem:s18+$0x0];
	v2 =	vadd.f32 v51, v2;
	v10 =	vadd.f32 v26, v10  }
0x304: {  	s15 =	sor.u32 s6, s9;
	v9 =	vld [tilespmem:s31+$0x0];
	v3 =	vadd.f32 v54, v3;
	v4 =	vadd.f32 v32, v4  }
0x305: {  	s19 =	sor.u32 s4, s29;
	s8 =	sadd.s32 $0x13180, s8;
	v11 =	vld [tilespmem:s15+$0x0];
	v2 =	vadd.f32 v52, v2;
	v10 =	vadd.f32 v49, v10  }
0x306: {  	s21 =	sor.u32 s5, s8;
	v7 =	vld [tilespmem:s19+$0x0];
	v1 =	vadd.f32 v1, v3;
	v3 =	vadd.f32 v6, v4  }
0x307: {  	s23 =	sadd.s32 $0x0, s13;
	v2 =	vadd.f32 v56, v2;
	v10 =	vadd.f32 v24, v10;
	v4 =	vld [tilespmem:s21+$0x0]  }
0x308: {  	s0 =	sand.u32 $0x7F80, s23;
	s22 =	sor.u32 s6, s8;
	v8 =	vld [tilespmem:s17+$0x0];
	v1 =	vadd.f32 v58, v1;
	v3 =	vadd.f32 v15, v3  }
0x309: {  	s2 =	simm.s32 $0x11520;
	s25 =	sadd.s32 $0x9D00, s0;
	v6 =	vld [tilespmem:s22+$0x0];
	v2 =	vadd.f32 v9, v2;
	v5 =	vadd.f32 v5, v10  }
0x30a: {  	s0 =	sor.u32 s5, s25;
	v9 =	vld [tilespmem:s2+$0xFFFFFFE0];
	v0 =	vadd.f32 v0, v1;
	v1 =	vadd.f32 v59, v3  }
0x30b: {  	v2 =	vadd.f32 v11, v2;
	v5 =	vadd.f32 v55, v5;
	v3 =	vld [tilespmem:s0+$0x0]  }
0x30c: {  	s26 =	sor.u32 s6, s25;
	v0 =	vadd.f32 v4, v0;
	v4 =	vld [tilespmem:s2+$0xFFFFFFF0];
	v1 =	vadd.f32 v7, v1  }
0x30d: {  	s28 =	sor.u32 s3, s9;
	v10 =	vld [tilespmem:s26+$0x0];
	v2 =	vadd.f32 v57, v2;
	v5 =	vadd.f32 v8, v5  }
0x30e: {  	v11 =	vld [tilespmem:s28+$0x0];
	v1 =	vadd.f32 v61, v1  }
0x30f: {  	v7 =	vadd.f32 v6, v2;
	v2 =	vld [tilespmem:s2+$0x10];
	v5 =	vadd.f32 v62, v5;
	v0 =	vmul.f32 v9, v0  }
0x310: {  	s31 =	sor.u32 s4, s8;
	v6 =	vld [tilespmem:s2+$0x0];
	v8 =	vadd.f32 v53, v1  }
0x311: {  	s14 =	simm.s32 $0x117A0;
	s29 =	sor.u32 s3, s1;
	s1 =	simm.s32 $0x40;
	v63 =	vadd.f32 v60, v5;
	v5 =	vld [tilespmem:s31+$0x0];
	v0 =	vadd.f32 v0, v3;
	v9 =	vmul.f32 v4, v7  }
0x312: {  	s30 =	sor.u32 s3, s8;
	s7 =	sor.u32 s3, s25;
	s3 =	simm.s32 $0x11560;
	v1 =	vld [tilespmem:s29+$0x0];
	v3 =	vadd.f32 v50, v8  }
0x313: {  	s0 =	sor.u32 s4, s25;
	s4 =	simm.s32 $0x117E0;
	s2 =	simm.s32 $0x200;
	v7 =	vld [tilespmem:s30+$0x0];
	v4 =	vmul.f32 $5.000000000e-01, v0;
	v8 =	vadd.f32 v9, v10;
	v9 =	vadd.f32 v11, v63  }
.LBB2_12:
0x314: {  	s8 =	sand.u32 $0x1C00, s2;
	v0 =	vld [tilespmem:s3+$0xFFFFFFE0]  }
0x315: {  	s5 =	sand.u32 $0x40, s1;
	v10 =	vld [tilespmem:s0+$0x0];
	s11 =	sadd.s32 $0x11A00, s8;
	v8 =	vmul.f32 $5.000000000e-01, v8  }
0x316: {  	s10 =	sadd.s32 $0x10, s1;
	v11 =	vld [tilespmem:s7+$0x0];
	s17 =	sadd.s32 $0x13100, s8;
	s9 =	sor.u32 s5, s11  }
0x317: {  	s7 =	sand.u32 $0x50, s10;
	s28 =	sor.u32 s5, s17;
	[tilespmem:s14+$0xFFFFFFF0] =	vst v8;
	v8 =	vld [tilespmem:s9+$0x180]  }
0x318: {  	s31 =	sor.u32 s7, s11;
	v9 =	vadd.f32 v1, v9;
	v1 =	vld [tilespmem:s28+$0x0]  }
0x319: {  	v15 =	vld [tilespmem:s31+$0x0]  }
0x31a: {  	v18 =	vld [tilespmem:s31+$0x280]  }
0x31b: {  	v23 =	vld [tilespmem:s31+$0x200]  }
0x31c: {  	v24 =	vld [tilespmem:s31+$0x180]  }
0x31d: {  	v29 =	vld [tilespmem:s31+$0x100]  }
0x31e: {  	v31 =	vld [tilespmem:s31+$0x80];
	v7 =	vadd.f32 v7, v9  }
0x31f: {  	v9 =	vadd.f32 v5, v3;
	v3 =	vld [tilespmem:s31+$0x380]  }
0x320: {  	v5 =	vld [tilespmem:s9+$0x380];
	v2 =	vmul.f32 v2, v7  }
0x321: {  	s16 =	sadd.s32 $0x13000, s8;
	v7 =	vmul.f32 v6, v9;
	v9 =	vld [tilespmem:s9+$0x300]  }
0x322: {  	s29 =	sor.u32 s5, s16;
	v6 =	vld [tilespmem:s31+$0x300];
	v11 =	vadd.f32 v2, v11  }
0x323: {  	s13 =	sadd.s32 $0x12E00, s8;
	v7 =	vadd.f32 v7, v10;
	v2 =	vld [tilespmem:s29+$0x0]  }
0x324: {  	s18 =	sadd.s32 $0x12E80, s8;
	s24 =	sor.u32 s7, s13;
	s28 =	smov.u32 s14;
	v10 =	vmul.f32 $5.000000000e-01, v11;
	v11 =	vld [tilespmem:s9+$0x100]  }
0x325: {  	s20 =	sadd.s32 $0x30, s1;
	s19 =	sadd.s32 $0x12F00, s8;
	s10 =	sor.u32 s7, s18;
	[tilespmem:s28+$0xFFFFFFE0] =	vst v4;
	v4 =	vmul.f32 $5.000000000e-01, v7;
	v7 =	vld [tilespmem:s24+$0x0]  }
0x326: {  	[smem:$0x7A6] =	sst s10;
	s10 =	sand.u32 $0x70, s20;
	s20 =	sor.u32 s5, s19;
	v12 =	vld [tilespmem:s9+$0x280]  }
0x327: {  	v13 =	vld [tilespmem:s20+$0x0]  }
0x328: {  	v16 =	vld [tilespmem:s9+$0x0]  }
0x329: {  	v17 =	vld [tilespmem:s9+$0x200]  }
0x32a: {  	s23 =	sadd.s32 $0x13080, s8;
	s0 =	sor.u32 s5, s13;
	v20 =	vld [tilespmem:s9+$0x80]  }
0x32b: {  	s21 =	sor.u32 s5, s18;
	s24 =	sor.u32 s7, s23;
	v53 =	vld [tilespmem:s0+$0x0]  }
0x32c: {  	[smem:$0x7A7] =	sst s24;
	s24 =	sor.u32 s7, s16;
	[tilespmem:s28+$0x10] =	vst v10;
	v10 =	vld [tilespmem:s21+$0x0]  }
0x32d: {  	s6 =	sadd.s32 $0x20, s1;
	s20 =	sor.u32 s5, s23;
	v56 =	vld [tilespmem:s24+$0x0]  }
0x32e: {  	s6 =	sand.u32 $0x60, s6;
	s15 =	sor.u32 s10, s13;
	v59 =	vld [tilespmem:s20+$0x0]  }
0x32f: {  	s14 =	sor.u32 s6, s13;
	[tilespmem:s28+$0x0] =	vst v4;
	v4 =	vld [tilespmem:s15+$0x0]  }
0x330: {  	s30 =	sor.u32 s10, s11;
	v14 =	vld [tilespmem:s14+$0x0]  }
0x331: {  	s26 =	sor.u32 s6, s11;
	v19 =	vld [tilespmem:s30+$0x380]  }
0x332: {  	v21 =	vld [tilespmem:s26+$0x280]  }
0x333: {  	v22 =	vld [tilespmem:s30+$0x280]  }
0x334: {  	v25 =	vld [tilespmem:s26+$0x200]  }
0x335: {  	s12 =	sor.u32 s6, s18;
	v26 =	vld [tilespmem:s30+$0x200]  }
0x336: {  	v27 =	vld [tilespmem:s12+$0x0]  }
0x337: {  	v28 =	vld [tilespmem:s26+$0x180]  }
0x338: {  	v30 =	vld [tilespmem:s30+$0x180];
	v16 =	vadd.f32 v20, v16  }
0x339: {  	v32 =	vld [tilespmem:s26+$0x100]  }
0x33a: {  	v34 =	vld [tilespmem:s26+$0x80];
	v11 =	vadd.f32 v11, v16  }
0x33b: {  	v15 =	vadd.f32 v31, v15;
	v46 =	vld [tilespmem:s26+$0x0]  }
0x33c: {  	v33 =	vld [tilespmem:s26+$0x380];
	v8 =	vadd.f32 v8, v11  }
0x33d: {  	v48 =	vld [tilespmem:s30+$0x80];
	v11 =	vadd.f32 v29, v15  }
0x33e: {  	v49 =	vld [tilespmem:s30+$0x0];
	v8 =	vadd.f32 v17, v8  }
0x33f: {  	v45 =	vld [tilespmem:s30+$0x100];
	v11 =	vadd.f32 v24, v11  }
0x340: {  	s22 =	sor.u32 s10, s23;
	v47 =	vld [tilespmem:s26+$0x300];
	v16 =	vadd.f32 v34, v46;
	v8 =	vadd.f32 v12, v8  }
0x341: {  	s13 =	sor.u32 s6, s17;
	[smem:$0x7AB] =	sst s22;
	s22 =	sor.u32 s6, s19;
	v50 =	vld [tilespmem:s30+$0x300];
	v11 =	vadd.f32 v23, v11  }
0x342: {  	s25 =	sor.u32 s6, s23;
	[smem:$0x7A8] =	sst s22;
	v51 =	vld [tilespmem:s13+$0x0];
	v16 =	vadd.f32 v32, v16;
	v8 =	vadd.f32 v9, v8  }
0x343: {  	s22 =	sor.u32 s10, s18;
	s12 =	sld [smem:$0x7A6];
	v54 =	vld [tilespmem:s25+$0x0];
	v15 =	vadd.f32 v48, v49;
	v11 =	vadd.f32 v18, v11  }
0x344: {  	s29 =	sor.u32 s7, s19;
	s19 =	sor.u32 s10, s19;
	v55 =	vld [tilespmem:s22+$0x0];
	v16 =	vadd.f32 v28, v16;
	v5 =	vadd.f32 v5, v8  }
0x345: {  	s21 =	sadd.s32 $0x12F80, s8;
	v58 =	vld [tilespmem:s19+$0x0];
	v6 =	vadd.f32 v6, v11;
	v11 =	vadd.f32 v45, v15  }
0x346: {  	s11 =	sor.u32 s5, s21;
	v52 =	vld [tilespmem:s12+$0x0];
	v16 =	vadd.f32 v25, v16;
	v5 =	vadd.f32 v53, v5  }
0x347: {  	v8 =	vld [tilespmem:s11+$0x0];
	v3 =	vadd.f32 v3, v6;
	v11 =	vadd.f32 v30, v11  }
0x348: {  	s18 =	sor.u32 s6, s21;
	s13 =	sld [smem:$0x7A7];
	v9 =	vld [tilespmem:s29+$0x0];
	v16 =	vadd.f32 v21, v16;
	v5 =	vadd.f32 v10, v5  }
0x349: {  	s28 =	sor.u32 s7, s21;
	s21 =	sor.u32 s10, s21;
	s22 =	sld [smem:$0x7A8];
	v60 =	vld [tilespmem:s18+$0x0];
	v3 =	vadd.f32 v7, v3;
	v11 =	vadd.f32 v26, v11  }
0x34a: {  	[smem:$0x7AA] =	sst s21;
	s21 =	sor.u32 s6, s16;
	v57 =	vadd.f32 v47, v16;
	v6 =	vld [tilespmem:s28+$0x0];
	v5 =	vadd.f32 v13, v5  }
0x34b: {  	s23 =	sor.u32 s7, s17;
	[smem:$0x7A9] =	sst s21;
	v10 =	vld [tilespmem:s13+$0x0];
	v3 =	vadd.f32 v52, v3;
	v11 =	vadd.f32 v22, v11  }
0x34c: {  	s21 =	sadd.s32 $0x13180, s8;
	s28 =	sld [smem:$0x7A9];
	v7 =	vld [tilespmem:s23+$0x0];
	v5 =	vadd.f32 v8, v5;
	v8 =	vadd.f32 v33, v57  }
0x34d: {  	s23 =	sor.u32 s5, s21;
	v3 =	vadd.f32 v9, v3;
	v9 =	vld [tilespmem:s22+$0x0];
	v11 =	vadd.f32 v50, v11  }
0x34e: {  	s15 =	sor.u32 s10, s17;
	s17 =	smov.u32 s1;
	s26 =	rddreg [dreg:$0x4];
	v61 =	vld [tilespmem:s23+$0x0];
	v2 =	vadd.f32 v2, v5;
	v5 =	vadd.f32 v14, v8  }
0x34f: {  	s16 =	sor.u32 s10, s16;
	s8 =	sadd.s32 s17, s26;
	s30 =	sld [smem:$0x7AA];
	v62 =	vld [tilespmem:s28+$0x0];
	v3 =	vadd.f32 v6, v3;
	v6 =	vadd.f32 v19, v11  }
0x350: {  	s0 =	sor.u32 s7, s21;
	s8 =	sand.u32 $0x7F80, s8;
	v8 =	vld [tilespmem:s16+$0x0];
	v2 =	vadd.f32 v59, v2;
	v5 =	vadd.f32 v27, v5  }
0x351: {  	s8 =	sadd.s32 $0x9D00, s8;
	v11 =	vld [tilespmem:s0+$0x0];
	v3 =	vadd.f32 v56, v3;
	v4 =	vadd.f32 v4, v6  }
0x352: {  	s31 =	sld [smem:$0x7AB];
	s5 =	sor.u32 s5, s8;
	v1 =	vadd.f32 v1, v2;
	v2 =	vadd.f32 v9, v5;
	v5 =	vld [tilespmem:s30+$0x0]  }
0x353: {  	v6 =	vld [tilespmem:s5+$0x0];
	v3 =	vadd.f32 v10, v3;
	v4 =	vadd.f32 v55, v4  }
0x354: {  	v9 =	vld [tilespmem:s3+$0xFFFFFFF0];
	v1 =	vadd.f32 v61, v1;
	v2 =	vadd.f32 v60, v2  }
0x355: {  	v63 =	vld [tilespmem:s31+$0x0];
	s29 =	sor.u32 s7, s8;
	v3 =	vadd.f32 v7, v3;
	v4 =	vadd.f32 v58, v4  }
0x356: {  	p0 =	slt.u32 s1, $0x240;
	s25 =	sor.u32 s10, s21;
	v10 =	vld [tilespmem:s29+$0x0];
	v0 =	vmul.f32 v0, v1;
	v1 =	vadd.f32 v62, v2  }
.Ltmp8:
0x357: {  	v7 =	vld [tilespmem:s25+$0x0];
	v3 =	vadd.f32 v11, v3;
	v4 =	vadd.f32 v5, v4;
	(pc) =	sbr.rel @p0 .LBB2_12-.Ltmp8, $4  }
0x358: {  	v2 =	vld [tilespmem:s3+$0x10];
	v5 =	vadd.f32 v54, v1  }
0x359: {  	s2 =	sadd.s32 $0x200, s2;
	s1 =	sadd.s32 $0x40, s1;
	v0 =	vadd.f32 v0, v6;
	v1 =	vld [tilespmem:s15+$0x0];
	v9 =	vmul.f32 v9, v3;
	v11 =	vadd.f32 v8, v4  }
0x35a: {  	s14 =	smov.u32 s4;
	s4 =	sadd.s32 $0x40, s4;
	s24 =	sor.u32 s6, s21;
	v6 =	vld [tilespmem:s3+$0x0];
	v3 =	vadd.f32 v51, v5  }
0x35b: {  	s7 =	sor.u32 s10, s8;
	s0 =	sor.u32 s6, s8;
	s3 =	sadd.s32 $0x40, s3;
	v4 =	vmul.f32 $5.000000000e-01, v0;
	v8 =	vadd.f32 v9, v10;
	v5 =	vld [tilespmem:s24+$0x0];
	v9 =	vadd.f32 v63, v11  }
0x35c: {  	_ =	sdelay $0x1  }
0x35d: {  	v0 =	vadd.f32 v1, v9  }
0x35e: {  	v1 =	vld [tilespmem:s7+$0x0]  }
0x35f: {  	v63 =	vld [tilespmem:s0+$0x0];
	v0 =	vadd.f32 v7, v0  }
0x360: {  	v3 =	vadd.f32 v5, v3  }
0x361: {  	v0 =	vmul.f32 v2, v0  }
0x362: {  	v2 =	vmul.f32 v6, v3  }
0x363: {  	v0 =	vadd.f32 v0, v1  }
0x364: {  	v3 =	vmul.f32 $5.000000000e-01, v8;
	v1 =	vadd.f32 v2, v63  }
0x365: {  	[tilespmem:s14+$0xFFFFFFE0] =	vst v4;
	v0 =	vmul.f32 $5.000000000e-01, v0  }
0x366: {  	[tilespmem:s14+$0xFFFFFFF0] =	vst v3;
	v1 =	vmul.f32 $5.000000000e-01, v1  }
0x367: {  	[tilespmem:s14+$0x10] =	vst v0  }
0x368: {  	s1 =	simm.s32 $0x117A0;
	[tilespmem:s14+$0x0] =	vst v1  }
0x369: {  	v0 =	vld [tilespmem:s1+$0xFFFFFFE0];
	_ =	sdelay $0x2  }
0x36a: {  	v2 =	vld [tilespmem:s1+$0xFFFFFFF0]  }
0x36b: {  	v1 =	vimm.f32 $0.0e+00  }
0x36c: {  	v3 =	vadd.f32 v0, v1;
	v0 =	vld [tilespmem:s1+$0x0];
	_ =	sdelay $0x1  }
0x36d: {  	v1 =	vld [tilespmem:s1+$0x10]  }
0x36e: {  	s0 =	simm.s32 $0x0;
	s1 =	simm.s32 $0x117E0;
	v2 =	vadd.f32 v2, v3  }
.LBB2_14:
0x36f: {  	v3 =	vld [tilespmem:s1+$0xFFFFFFE0];
	s0 =	sadd.s32 $0x40, s0  }
0x370: {  	p0 =	slt.u32 s0, $0x240;
	v0 =	vadd.f32 v0, v2  }
0x371: {  	v2 =	vld [tilespmem:s1+$0xFFFFFFF0]  }
.Ltmp9:
0x372: {  	v1 =	vadd.f32 v1, v0;
	(pc) =	sbr.rel @p0 .LBB2_14-.Ltmp9, $4  }
0x373: {  	v0 =	vld [tilespmem:s1+$0x0]  }
0x374: {  	v3 =	vadd.f32 v3, v1  }
0x375: {  	v1 =	vld [tilespmem:s1+$0x10]  }
0x376: {  	s1 =	sadd.s32 $0x40, s1;
	v2 =	vadd.f32 v2, v3  }
0x377: {  	_ = 	snop  }
0x378: {  	v0 =	vadd.f32 v0, v2  }
0x379: {  	[bflag:$0x0] =	sbarrier.arrive $0xFFFF  }
0x37a: {  	s2 =	sld [smem:$0x7FD];
	v0 =	vadd.f32 v1, v0;
	_ =	sdelay $0x1  }
0x37b: {  	s0 =	simm.s32 $0x0;
	s1 =	simm.s32 $0x16B80;
	s31 =	simm.s32 $0x3;
	[tilespmem:$0x16B80] =	vst v0  }
0x37c: {  	[hbm4b:s2+s0] =	stream.linear.scatter [tilespmem:s1], [sflag:$0x3], $0x10, $0x38;
	[tilespmem:$0x16C00] =	vst v63  }
0x37d: {  	_ =	swait.ge [sflag:s31], $0x10  }
0x37e: {  	[sflag:s31] =	ssyncset.done $0x0  }
0x37f: {  	[sflag:s31] =	ssyncadd.s32 $0xFFFFFFF0  }
0x380: {  	[bflag:$0x0] =	sbarrier.arrive $0xFFFF  }
0x381: {  	s8 =	stileid.u32;
	s3 =	sld [smem:$0x7FC]  }
0x382: {  	p0 =	sne.s32 s8, $0x0  }
0x383: {  	s0 =	simm.s32 @!p0 $0x80;
	s1 =	simm.s32 @!p0 $0x400;
	s2 =	simm.s32 @!p0 $0x16A00  }
0x384: {  	[tilespmem:s2], [sflag:$0x3] =	stream.strided.gather @!p0 [hbm4b:s3+s0], $0x100, s1, s0, $0x38;
	[tilespmem:$0x16C00] =	vst v63  }
0x385: {  	s0 =	simm.s32 @!p0 $0x3  }
0x386: {  	_ =	swait.ge @!p0 [sflag:s0], $0x100  }
0x387: {  	[sflag:s0] =	ssyncset.done @!p0 $0x0  }
0x388: {  	[sflag:s0] =	ssyncadd.s32 @!p0 $0xFFFFFF00  }
0x389: {  	v0 =	vld @!p0 [tilespmem:$0x16A00]  }
0x38a: {  	v1 =	vld @!p0 [tilespmem:$0x16A10];
	_ =	sdelay $0x1  }
0x38b: {  	v2 =	vld @!p0 [tilespmem:$0x16A20];
	_ =	sdelay $0x1  }
0x38c: {  	v3 =	vld @!p0 [tilespmem:$0x16A30]  }
0x38d: {  	v0 =	vadd.f32 @!p0 v1, v0  }
0x38e: {  	v1 =	vld @!p0 [tilespmem:$0x16A40]  }
0x38f: {  	v0 =	vadd.f32 @!p0 v2, v0  }
0x390: {  	v2 =	vld @!p0 [tilespmem:$0x16A50]  }
0x391: {  	v0 =	vadd.f32 @!p0 v3, v0  }
0x392: {  	v3 =	vld @!p0 [tilespmem:$0x16A60]  }
0x393: {  	v0 =	vadd.f32 @!p0 v1, v0  }
0x394: {  	v1 =	vld @!p0 [tilespmem:$0x16A70]  }
0x395: {  	v0 =	vadd.f32 @!p0 v2, v0  }
0x396: {  	v2 =	vld @!p0 [tilespmem:$0x16A80]  }
0x397: {  	v0 =	vadd.f32 @!p0 v3, v0  }
0x398: {  	v3 =	vld @!p0 [tilespmem:$0x16A90]  }
0x399: {  	v0 =	vadd.f32 @!p0 v1, v0  }
0x39a: {  	v1 =	vld @!p0 [tilespmem:$0x16AA0]  }
0x39b: {  	v0 =	vadd.f32 @!p0 v2, v0  }
0x39c: {  	v2 =	vld @!p0 [tilespmem:$0x16AB0]  }
0x39d: {  	v0 =	vadd.f32 @!p0 v3, v0  }
0x39e: {  	v3 =	vld @!p0 [tilespmem:$0x16AC0]  }
0x39f: {  	v0 =	vadd.f32 @!p0 v1, v0  }
0x3a0: {  	v1 =	vld @!p0 [tilespmem:$0x16AD0]  }
0x3a1: {  	v0 =	vadd.f32 @!p0 v2, v0  }
0x3a2: {  	v2 =	vld @!p0 [tilespmem:$0x16AE0]  }
0x3a3: {  	v0 =	vadd.f32 @!p0 v3, v0  }
0x3a4: {  	v3 =	vld @!p0 [tilespmem:$0x16AF0]  }
0x3a5: {  	v0 =	vadd.f32 @!p0 v1, v0;
	_ =	sdelay $0x1  }
0x3a6: {  	v0 =	vadd.f32 @!p0 v2, v0;
	_ =	sdelay $0x1  }
0x3a7: {  	v0 =	vadd.f32 @!p0 v3, v0;
	_ =	sdelay $0x1  }
0x3a8: {  	(xrf2) =	vadd.scan.msk.f32 @!p0 $0xffff, v0;
	_ =	sdelay $0x9  }
0x3a9: {  	v0, _, _ =	vpop @!p0 (xrf2)  }
0x3aa: {  	(v2sf) =	vpush @!p0 v0, $0xF;
	_ =	sdelay $0xe  }
0x3ab: {  	v0 =	vld @!p0 [tilespmem:$0x16B00];
	s1 =	spop @!p0 (v2sf)  }
0x3ac: {  	s1 =	smul.f32 @!p0 $9.999999740e-05, s1;
	_ =	sdelay $0x1  }
0x3ad: {  	vm0 =	vcmask @!p0 $0x300;
	v1 =	vmov @!p0 s1  }
0x3ae: {  	v1 =	vnsel @!p0 vm0, $0x0, v1  }
0x3af: {  	v0 =	vadd.f32 @!p0 v1, v0;
	_ =	sdelay $0x1  }
0x3b0: {  	s2 =	simm.s32 @!p0 $0x16B80;
	s3 =	rddreg [dreg:$0x2];
	s1 =	simm.s32 @!p0 $0x0;
	[tilespmem:$0x16B80] =	vst @!p0 v0  }
0x3b1: {  	[hbm4b:s3+s1] =	stream.linear.scatter @!p0 [tilespmem:s2], [sflag:$0x3], $0x80, $0x38;
	[tilespmem:$0x16C00] =	vst v63  }
0x3b2: {  	_ =	swait.ge @!p0 [sflag:s0], $0x80  }
0x3b3: {  	[sflag:s0] =	ssyncset.done @!p0 $0x0  }
0x3b4: {  	[sflag:s0] =	ssyncadd.s32 @!p0 $0xFFFFFF80  }
0x3b5: {  	s3 =	rddreg [dreg:$0x3]  }
.LBB2_16:
0x3b6: {  	_ =	sfence.sel $0x180000  }
0x3b7: {  	[bflag:$0x0] =	sbarrier.arrive $0xFFFF  }
0x3b8: {  	p0 =	sne.s32 s8, $0x0;
	_ =	strace $0x90000047  }
0x3b9: {  	s0 =	sadd.s32 @!p0 $0x100000, s3;
	[bflag:$0x2] =	sbarrier.arrive $0xFFFF  }
0x3ba: {  	[sflag:s0] =	ssyncadd.tile.s32 @!p0 $0x1;
	_ =	shalt  }
.Lfunc_end2:
_tile_overlayer_lowered:
.L_overlay_start_2:
0x3bb: {  	(tag) =	ssettag $0x2  }
0x3bc: {  	s0 =	rddreg [dreg:$0x0];
	s2 =	stileid.u32  }
0x3bd: {  	s1 =	rddreg [dreg:$0x1];
	p0 =	sne.s32 s2, $0x0  }
0x3be: {  	s3 =	rddreg [dreg:$0x2];
	[bflag:$0x3] =	sbarrier.arrive $0xFFFF;
	s2 =	simm.s32 @!p0 $0x1C03  }
0x3bf: {  	[timem:s3], [sflag:s2] =	dma.local @!p0 [hbm:s0], s1  }
0x3c0: {  	s0 =	simm.s32 @!p0 $0x3  }
0x3c1: {  	_ =	swait.ge @!p0 [sflag:s0], s1  }
0x3c2: {  	s1 =	ssub.s32 @!p0 $0x0, s1;
	[sflag:s0] =	ssyncset.done @!p0 $0x0  }
0x3c3: {  	[sflag:s0] =	ssyncadd.s32 @!p0 s1  }
0x3c4: {  	[bflag:$0x3] =	sbarrier.arrive $0xFFFF  }
0x3c5: {  	_ =	shalt  }

</sc_bundles>
